<compile_context>
chip_gen: v7x
topology: tpu7x:2x2x1
jax: 0.10.2.dev20260603
libtpu: 0.0.44.dev20260713+nightly
codegen_flags: <defaults>
</compile_context>

<pallas_src>
import functools

import jax
import jax.numpy as jnp
from jax import lax
from jax.experimental import pallas as pl
from jax.experimental.pallas import tpu as pltpu
from jax.experimental.pallas import tpu_sc as plsc

BATCH = 16384
EMBED_DIM = 32
NUM_CORES = 2
NUM_SUBCORES = 16
LANES = 16
LANE_BLK = 128
NUM_WORKERS = NUM_CORES * NUM_SUBCORES
B_PER_W = BATCH // NUM_WORKERS
CHUNK = 8
NCHUNK = B_PER_W // CHUNK
HALF = EMBED_DIM // 2

_mesh = plsc.VectorSubcoreMesh(
    core_axis_name="c", subcore_axis_name="s",
    num_cores=NUM_CORES, num_subcores=NUM_SUBCORES)


@functools.partial(
    pl.kernel,
    out_type=jax.ShapeDtypeStruct((BATCH,), jnp.float32),
    mesh=_mesh,
    scratch_types=[
        pltpu.VMEM((B_PER_W + LANES,), jnp.int32),
        pltpu.VMEM((B_PER_W + LANES,), jnp.int32),
        pltpu.VMEM((CHUNK, EMBED_DIM, LANE_BLK), jnp.float32),
        pltpu.VMEM((CHUNK, EMBED_DIM, LANE_BLK), jnp.float32),
        pltpu.VMEM((B_PER_W + LANES,), jnp.float32),
        pltpu.SemaphoreType.DMA,
    ],
    compiler_params=pltpu.CompilerParams(
        needs_layout_passes=False, use_tc_tiling_on_sc=True),
)
def _mf_kernel(user_idx_hbm, movie_idx_hbm, ut_hbm, mt_hbm,
               out_hbm, uidx_v, midx_v, ubuf, mbuf, out_v, sem):
    wid = lax.axis_index("s") * NUM_CORES + lax.axis_index("c")
    base = wid * B_PER_W

    pltpu.sync_copy(user_idx_hbm.at[pl.ds(base, B_PER_W)],
                    uidx_v.at[pl.ds(0, B_PER_W)])
    pltpu.sync_copy(movie_idx_hbm.at[pl.ds(base, B_PER_W)],
                    midx_v.at[pl.ds(0, B_PER_W)])

    lane = lax.iota(jnp.int32, LANES)
    lsel = lane % CHUNK
    dhalf = (lane // CHUNK) * HALF
    fold = (lane + CHUNK) % LANES

    def chunk_body(c, carry):
        lo = c * CHUNK
        iv_u = uidx_v[pl.ds(lo, LANES)]
        iv_m = midx_v[pl.ds(lo, LANES)]
        copies = []
        for l in range(CHUNK):
            cu = pl.multiple_of((iv_u[l] // LANE_BLK) * LANE_BLK, LANE_BLK)
            cm = pl.multiple_of((iv_m[l] // LANE_BLK) * LANE_BLK, LANE_BLK)
            copies.append(pltpu.async_copy(
                ut_hbm.at[pl.ds(0, EMBED_DIM), pl.ds(cu, LANE_BLK)],
                ubuf.at[l], sem))
            copies.append(pltpu.async_copy(
                mt_hbm.at[pl.ds(0, EMBED_DIM), pl.ds(cm, LANE_BLK)],
                mbuf.at[l], sem))
        for h in copies:
            h.wait()

        rl_u = (iv_u % LANE_BLK).at[lsel].get(mode="promise_in_bounds")
        rl_m = (iv_m % LANE_BLK).at[lsel].get(mode="promise_in_bounds")
        acc = jnp.zeros((LANES,), jnp.float32)
        for d in range(HALF):
            dv = dhalf + d
            u = plsc.load_gather(ubuf, [lsel, dv, rl_u])
            m = plsc.load_gather(mbuf, [lsel, dv, rl_m])
            acc = acc + u * m
        acc = acc + acc.at[fold].get(mode="promise_in_bounds")
        out_v[pl.ds(lo, LANES)] = acc
        return carry

    lax.fori_loop(0, NCHUNK, chunk_body, 0)

    pltpu.sync_copy(out_v.at[pl.ds(0, B_PER_W)],
                    out_hbm.at[pl.ds(base, B_PER_W)])


def kernel(user_idx, movie_idx, user_table, movie_table):
    return _mf_kernel(user_idx.astype(jnp.int32), movie_idx.astype(jnp.int32),
                      user_table.T, movie_table.T)

# --- scband reference (transcript-rebuilt; emitter-appended) ---
"""Pipeline reference for scband-matrix-factorization-2499670966422 (READ-ONLY COPY).

The authoritative reference and input builder live on the scoring server;
editing this copy changes nothing except your own understanding.
"""

import jax, jax.numpy as jnp
import numpy as np

NUM_USERS = 1000000
NUM_MOVIES = 1000000
EMBED_DIM = 32
BATCH = 16384

def setup_inputs(seed: int = 0) -> dict:
    key = jax.random.key(seed)
    k1, k2, k3, k4 = jax.random.split(key, 4)
    user_idx = jax.random.randint(k1, (BATCH,), 0, NUM_USERS, dtype=jnp.int64 if jax.config.jax_enable_x64 else jnp.int32)
    movie_idx = jax.random.randint(k2, (BATCH,), 0, NUM_MOVIES, dtype=jnp.int64 if jax.config.jax_enable_x64 else jnp.int32)
    user_table = jax.random.normal(k3, (NUM_USERS, EMBED_DIM), dtype=jnp.float32)
    movie_table = jax.random.normal(k4, (NUM_MOVIES, EMBED_DIM), dtype=jnp.float32)
    return {"user_idx": user_idx, "movie_idx": movie_idx, "user_table": user_table, "movie_table": movie_table}

def reference(user_idx, movie_idx, user_table, movie_table):
    user_emb = jnp.take(user_table, user_idx, axis=0)
    movie_emb = jnp.take(movie_table, movie_idx, axis=0)
    rating = jnp.sum(user_emb * movie_emb, axis=1)
    return rating

if __name__ == "__main__":
    import jax
    _d = setup_inputs()
    print(jax.jit(kernel)(*tuple(_d.values())))

</pallas_src>

<mosaic_0001>
#map = affine_map<(d0, d1) -> (0)>
#map1 = affine_map<(d0, d1) -> (0, 0)>
module attributes {stable_mosaic.version = 14 : i64} {
  func.func @_mf_kernel(%arg0: i32, %arg1: i32, %arg2: memref<16384xi32, #tpu.memory_space<hbm>>, %arg3: memref<16384xi32, #tpu.memory_space<hbm>>, %arg4: memref<32x1000000xf32, #tpu.memory_space<hbm>>, %arg5: memref<32x1000000xf32, #tpu.memory_space<hbm>>, %arg6: memref<16384xf32, #tpu.memory_space<hbm>>, %arg7: memref<528xi32, #tpu.memory_space<vmem>>, %arg8: memref<528xi32, #tpu.memory_space<vmem>>, %arg9: memref<8x32x128xf32, #tpu.memory_space<vmem>>, %arg10: memref<8x32x128xf32, #tpu.memory_space<vmem>>, %arg11: memref<528xf32, #tpu.memory_space<vmem>>, %arg12: memref<!tpu.dma_semaphore, #tpu.memory_space<semaphore_mem>>) attributes {dimension_semantics = [#tpu.dimension_semantics<core_parallel>, #tpu.dimension_semantics<subcore_parallel>], iteration_bounds = array<i64: 2, 16>, scalar_prefetch = 0 : i64, scratch_operands = 6 : i64, tpu.core_type = #tpu.core_type<sc_vector_subcore>, window_params = [{transform_indices = #map}, {transform_indices = #map}, {transform_indices = #map1}, {transform_indices = #map1}, {transform_indices = #map}]} {
    %mul3A = arith.constant 2 : i32
    %mul3A_0 = arith.muli %arg1, %mul3A : i32
    %add3A = arith.addi %mul3A_0, %arg0 : i32
    %mul3A_1 = arith.constant 512 : i32
    %mul3A_2 = arith.muli %add3A, %mul3A_1 : i32
    "tpu.region"() ({
      %run_scoped3A = tpu.sem_alloc : memref<!tpu.dma_semaphore, #tpu.memory_space<semaphore_mem>>
      %dma_start3A = arith.constant 0 : i32
      %dma_start3A_79 = tpu.memref_slice %arg7[%dma_start3A] : memref<528xi32, #tpu.memory_space<vmem>> -> memref<512xi32, #tpu.memory_space<vmem>>
      %dma_start3A_80 = tpu.memref_slice %arg2[%mul3A_2] : memref<16384xi32, #tpu.memory_space<hbm>> -> memref<512xi32, #tpu.memory_space<hbm>>
      %dma_start3A_81 = arith.constant 0 : i32
      %dma_start3A_82 = tpu.memref_slice %arg7[%dma_start3A_81] : memref<528xi32, #tpu.memory_space<vmem>> -> memref<512xi32, #tpu.memory_space<vmem>>
      %dma_start3A_83 = tpu.memref_slice %arg2[%mul3A_2] : memref<16384xi32, #tpu.memory_space<hbm>> -> memref<512xi32, #tpu.memory_space<hbm>>
      tpu.enqueue_dma source(%dma_start3A_83 : memref<512xi32, #tpu.memory_space<hbm>>) target(%dma_start3A_82 : memref<512xi32, #tpu.memory_space<vmem>>) target_semaphore(%run_scoped3A : memref<!tpu.dma_semaphore, #tpu.memory_space<semaphore_mem>>)
      %dma_wait3A = arith.constant 0 : i32
      %dma_wait3A_84 = tpu.memref_slice %arg7[%dma_wait3A] : memref<528xi32, #tpu.memory_space<vmem>> -> memref<512xi32, #tpu.memory_space<vmem>>
      %dma_wait3A_85 = tpu.memref_slice %arg2[%mul3A_2] : memref<16384xi32, #tpu.memory_space<hbm>> -> memref<512xi32, #tpu.memory_space<hbm>>
      %dma_wait3A_86 = arith.constant 0 : i32
      %dma_wait3A_87 = tpu.memref_slice %arg7[%dma_wait3A_86] : memref<528xi32, #tpu.memory_space<vmem>> -> memref<512xi32, #tpu.memory_space<vmem>>
      %dma_wait3A_88 = tpu.memref_slice %arg2[%mul3A_2] : memref<16384xi32, #tpu.memory_space<hbm>> -> memref<512xi32, #tpu.memory_space<hbm>>
      tpu.wait_dma2 semaphore(%run_scoped3A : memref<!tpu.dma_semaphore, #tpu.memory_space<semaphore_mem>>) src(%dma_wait3A_88 : memref<512xi32, #tpu.memory_space<hbm>>) dst(%dma_wait3A_87 : memref<512xi32, #tpu.memory_space<vmem>>)
      tpu.yield
    }) : () -> ()
    "tpu.region"() ({
      %run_scoped3A = tpu.sem_alloc : memref<!tpu.dma_semaphore, #tpu.memory_space<semaphore_mem>>
      %dma_start3A = arith.constant 0 : i32
      %dma_start3A_79 = tpu.memref_slice %arg8[%dma_start3A] : memref<528xi32, #tpu.memory_space<vmem>> -> memref<512xi32, #tpu.memory_space<vmem>>
      %dma_start3A_80 = tpu.memref_slice %arg3[%mul3A_2] : memref<16384xi32, #tpu.memory_space<hbm>> -> memref<512xi32, #tpu.memory_space<hbm>>
      %dma_start3A_81 = arith.constant 0 : i32
      %dma_start3A_82 = tpu.memref_slice %arg8[%dma_start3A_81] : memref<528xi32, #tpu.memory_space<vmem>> -> memref<512xi32, #tpu.memory_space<vmem>>
      %dma_start3A_83 = tpu.memref_slice %arg3[%mul3A_2] : memref<16384xi32, #tpu.memory_space<hbm>> -> memref<512xi32, #tpu.memory_space<hbm>>
      tpu.enqueue_dma source(%dma_start3A_83 : memref<512xi32, #tpu.memory_space<hbm>>) target(%dma_start3A_82 : memref<512xi32, #tpu.memory_space<vmem>>) target_semaphore(%run_scoped3A : memref<!tpu.dma_semaphore, #tpu.memory_space<semaphore_mem>>)
      %dma_wait3A = arith.constant 0 : i32
      %dma_wait3A_84 = tpu.memref_slice %arg8[%dma_wait3A] : memref<528xi32, #tpu.memory_space<vmem>> -> memref<512xi32, #tpu.memory_space<vmem>>
      %dma_wait3A_85 = tpu.memref_slice %arg3[%mul3A_2] : memref<16384xi32, #tpu.memory_space<hbm>> -> memref<512xi32, #tpu.memory_space<hbm>>
      %dma_wait3A_86 = arith.constant 0 : i32
      %dma_wait3A_87 = tpu.memref_slice %arg8[%dma_wait3A_86] : memref<528xi32, #tpu.memory_space<vmem>> -> memref<512xi32, #tpu.memory_space<vmem>>
      %dma_wait3A_88 = tpu.memref_slice %arg3[%mul3A_2] : memref<16384xi32, #tpu.memory_space<hbm>> -> memref<512xi32, #tpu.memory_space<hbm>>
      tpu.wait_dma2 semaphore(%run_scoped3A : memref<!tpu.dma_semaphore, #tpu.memory_space<semaphore_mem>>) src(%dma_wait3A_88 : memref<512xi32, #tpu.memory_space<hbm>>) dst(%dma_wait3A_87 : memref<512xi32, #tpu.memory_space<vmem>>)
      tpu.yield
    }) : () -> ()
    %iota3A = tpu.iota {dimensions = array<i32: 0>} : vector<16xi32>
    %jit3A = arith.constant 8 : i32
    %eq3A = arith.constant 0 : i32
    %eq3A_3 = arith.cmpi eq, %jit3A, %eq3A : i32
    %jit3A_4 = arith.constant 1 : i32
    %select_n3A = arith.select %eq3A_3, %jit3A_4, %jit3A : i32
    %rem3A = vector.broadcast %select_n3A : i32 to vector<16xi32>
    %rem3A_5 = arith.remsi %iota3A, %rem3A : vector<16xi32>
    %ne3A = arith.constant 0 : i32
    %ne3A_6 = vector.broadcast %ne3A : i32 to vector<16xi32>
    %ne3A_7 = arith.cmpi ne, %rem3A_5, %ne3A_6 : vector<16xi32>
    %lt3A = arith.constant 0 : i32
    %lt3A_8 = vector.broadcast %lt3A : i32 to vector<16xi32>
    %lt3A_9 = arith.cmpi slt, %rem3A_5, %lt3A_8 : vector<16xi32>
    %lt3A_10 = arith.constant 0 : i32
    %lt3A_11 = arith.cmpi slt, %select_n3A, %lt3A_10 : i32
    %ne3A_12 = vector.broadcast %lt3A_11 : i1 to vector<16xi1>
    %ne3A_13 = vector.broadcast %ne3A_12 : vector<16xi1> to vector<16xi1>
    %ne3A_14 = arith.xori %lt3A_9, %ne3A_13 : vector<16xi1>
    %and3A = arith.andi %ne3A_14, %ne3A_7 : vector<16xi1>
    %add3A_15 = vector.broadcast %select_n3A : i32 to vector<16xi32>
    %add3A_16 = arith.addi %rem3A_5, %add3A_15 : vector<16xi32>
    %select_n3A_17 = arith.select %and3A, %add3A_16, %rem3A_5 : vector<16xi1>, vector<16xi32>
    %jit3A_18 = arith.constant 8 : i32
    %div3A = vector.broadcast %jit3A_18 : i32 to vector<16xi32>
    %div3A_19 = arith.divsi %iota3A, %div3A : vector<16xi32>
    %sign3A = arith.constant 0 : i32
    %sign3A_20 = vector.broadcast %sign3A : i32 to vector<16xi32>
    %sign3A_21 = arith.cmpi sgt, %iota3A, %sign3A_20 : vector<16xi32>
    %sign3A_22 = arith.extui %sign3A_21 : vector<16xi1> to vector<16xi32>
    %sign3A_23 = arith.constant 0 : i32
    %sign3A_24 = vector.broadcast %sign3A_23 : i32 to vector<16xi32>
    %sign3A_25 = arith.cmpi slt, %iota3A, %sign3A_24 : vector<16xi32>
    %sign3A_26 = arith.extui %sign3A_25 : vector<16xi1> to vector<16xi32>
    %sign3A_27 = arith.subi %sign3A_22, %sign3A_26 : vector<16xi32>
    %sign3A_28 = arith.constant 0 : i32
    %sign3A_29 = arith.cmpi sgt, %jit3A_18, %sign3A_28 : i32
    %sign3A_30 = arith.extui %sign3A_29 : i1 to i32
    %sign3A_31 = arith.constant 0 : i32
    %sign3A_32 = arith.cmpi slt, %jit3A_18, %sign3A_31 : i32
    %sign3A_33 = arith.extui %sign3A_32 : i1 to i32
    %sign3A_34 = arith.subi %sign3A_30, %sign3A_33 : i32
    %ne3A_35 = vector.broadcast %sign3A_34 : i32 to vector<16xi32>
    %ne3A_36 = arith.cmpi ne, %sign3A_27, %ne3A_35 : vector<16xi32>
    %rem3A_37 = vector.broadcast %jit3A_18 : i32 to vector<16xi32>
    %rem3A_38 = arith.remsi %iota3A, %rem3A_37 : vector<16xi32>
    %ne3A_39 = arith.constant 0 : i32
    %ne3A_40 = vector.broadcast %ne3A_39 : i32 to vector<16xi32>
    %ne3A_41 = arith.cmpi ne, %rem3A_38, %ne3A_40 : vector<16xi32>
    %and3A_42 = arith.andi %ne3A_36, %ne3A_41 : vector<16xi1>
    %sub3A = arith.constant 1 : i32
    %sub3A_43 = vector.broadcast %sub3A : i32 to vector<16xi32>
    %sub3A_44 = arith.subi %div3A_19, %sub3A_43 : vector<16xi32>
    %select_n3A_45 = arith.select %and3A_42, %sub3A_44, %div3A_19 : vector<16xi1>, vector<16xi32>
    %mul3A_46 = arith.constant 16 : i32
    %mul3A_47 = vector.broadcast %mul3A_46 : i32 to vector<16xi32>
    %mul3A_48 = arith.muli %select_n3A_45, %mul3A_47 : vector<16xi32>
    %add3A_49 = arith.constant 8 : i32
    %add3A_50 = vector.broadcast %add3A_49 : i32 to vector<16xi32>
    %add3A_51 = arith.addi %iota3A, %add3A_50 : vector<16xi32>
    %jit3A_52 = arith.constant 16 : i32
    %eq3A_53 = arith.constant 0 : i32
    %eq3A_54 = arith.cmpi eq, %jit3A_52, %eq3A_53 : i32
    %jit3A_55 = arith.constant 1 : i32
    %select_n3A_56 = arith.select %eq3A_54, %jit3A_55, %jit3A_52 : i32
    %rem3A_57 = vector.broadcast %select_n3A_56 : i32 to vector<16xi32>
    %rem3A_58 = arith.remsi %add3A_51, %rem3A_57 : vector<16xi32>
    %ne3A_59 = arith.constant 0 : i32
    %ne3A_60 = vector.broadcast %ne3A_59 : i32 to vector<16xi32>
    %ne3A_61 = arith.cmpi ne, %rem3A_58, %ne3A_60 : vector<16xi32>
    %lt3A_62 = arith.constant 0 : i32
    %lt3A_63 = vector.broadcast %lt3A_62 : i32 to vector<16xi32>
    %lt3A_64 = arith.cmpi slt, %rem3A_58, %lt3A_63 : vector<16xi32>
    %lt3A_65 = arith.constant 0 : i32
    %lt3A_66 = arith.cmpi slt, %select_n3A_56, %lt3A_65 : i32
    %ne3A_67 = vector.broadcast %lt3A_66 : i1 to vector<16xi1>
    %ne3A_68 = vector.broadcast %ne3A_67 : vector<16xi1> to vector<16xi1>
    %ne3A_69 = arith.xori %lt3A_64, %ne3A_68 : vector<16xi1>
    %and3A_70 = arith.andi %ne3A_69, %ne3A_61 : vector<16xi1>
    %add3A_71 = vector.broadcast %select_n3A_56 : i32 to vector<16xi32>
    %add3A_72 = arith.addi %rem3A_58, %add3A_71 : vector<16xi32>
    %select_n3A_73 = arith.select %and3A_70, %add3A_72, %rem3A_58 : vector<16xi1>, vector<16xi32>
    %scan3A = arith.constant 0 : i32
    %scan3A_74 = arith.constant 0 : i32
    %scan3A_75 = arith.constant 64 : i32
    %scan3A_76 = arith.addi %scan3A_74, %scan3A_75 : i32
    %scan3A_77 = arith.constant 1 : i32
    scf.for %scan3A_79 = %scan3A_74 to %scan3A_76 step %scan3A_77  : i32 {
      %mul3A_80 = arith.constant 8 : i32
      %mul3A_81 = arith.muli %scan3A_79, %mul3A_80 : i32
      %get3A = arith.index_cast %mul3A_81 : i32 to index
      %get3A_82 = tpu.vector_load %arg7[%get3A] {strides = array<i32>} : memref<528xi32, #tpu.memory_space<vmem>>, vector<16xi32>,
      %get3A_83 = arith.index_cast %mul3A_81 : i32 to index
      %get3A_84 = tpu.vector_load %arg8[%get3A_83] {strides = array<i32>} : memref<528xi32, #tpu.memory_space<vmem>>, vector<16xi32>,
      %slice3A = vector.extract_strided_slice %get3A_82 {offsets = [0], sizes = [1], strides = [1]} : vector<16xi32> to vector<1xi32>
      %squeeze3A = vector.extract %slice3A[0] : i32 from vector<1xi32>
      %jit3A_85 = arith.constant 128 : i32
      %div3A_86 = arith.divsi %squeeze3A, %jit3A_85 : i32
      %sign3A_87 = arith.constant 0 : i32
      %sign3A_88 = arith.cmpi sgt, %squeeze3A, %sign3A_87 : i32
      %sign3A_89 = arith.extui %sign3A_88 : i1 to i32
      %sign3A_90 = arith.constant 0 : i32
      %sign3A_91 = arith.cmpi slt, %squeeze3A, %sign3A_90 : i32
      %sign3A_92 = arith.extui %sign3A_91 : i1 to i32
      %sign3A_93 = arith.subi %sign3A_89, %sign3A_92 : i32
      %sign3A_94 = arith.constant 0 : i32
      %sign3A_95 = arith.cmpi sgt, %jit3A_85, %sign3A_94 : i32
      %sign3A_96 = arith.extui %sign3A_95 : i1 to i32
      %sign3A_97 = arith.constant 0 : i32
      %sign3A_98 = arith.cmpi slt, %jit3A_85, %sign3A_97 : i32
      %sign3A_99 = arith.extui %sign3A_98 : i1 to i32
      %sign3A_100 = arith.subi %sign3A_96, %sign3A_99 : i32
      %ne3A_101 = arith.cmpi ne, %sign3A_93, %sign3A_100 : i32
      %rem3A_102 = arith.remsi %squeeze3A, %jit3A_85 : i32
      %ne3A_103 = arith.constant 0 : i32
      %ne3A_104 = arith.cmpi ne, %rem3A_102, %ne3A_103 : i32
      %and3A_105 = arith.andi %ne3A_101, %ne3A_104 : i1
      %sub3A_106 = arith.constant 1 : i32
      %sub3A_107 = arith.subi %div3A_86, %sub3A_106 : i32
      %select_n3A_108 = arith.select %and3A_105, %sub3A_107, %div3A_86 : i32
      %mul3A_109 = arith.constant 128 : i32
      %mul3A_110 = arith.muli %select_n3A_108, %mul3A_109 : i32
      %multiple_of3A = tpu.assume_multiple %mul3A_110, 128 : i32
      %slice3A_111 = vector.extract_strided_slice %get3A_84 {offsets = [0], sizes = [1], strides = [1]} : vector<16xi32> to vector<1xi32>
      %squeeze3A_112 = vector.extract %slice3A_111[0] : i32 from vector<1xi32>
      %jit3A_113 = arith.constant 128 : i32
      %div3A_114 = arith.divsi %squeeze3A_112, %jit3A_113 : i32
      %sign3A_115 = arith.constant 0 : i32
      %sign3A_116 = arith.cmpi sgt, %squeeze3A_112, %sign3A_115 : i32
      %sign3A_117 = arith.extui %sign3A_116 : i1 to i32
      %sign3A_118 = arith.constant 0 : i32
      %sign3A_119 = arith.cmpi slt, %squeeze3A_112, %sign3A_118 : i32
      %sign3A_120 = arith.extui %sign3A_119 : i1 to i32
      %sign3A_121 = arith.subi %sign3A_117, %sign3A_120 : i32
      %sign3A_122 = arith.constant 0 : i32
      %sign3A_123 = arith.cmpi sgt, %jit3A_113, %sign3A_122 : i32
      %sign3A_124 = arith.extui %sign3A_123 : i1 to i32
      %sign3A_125 = arith.constant 0 : i32
      %sign3A_126 = arith.cmpi slt, %jit3A_113, %sign3A_125 : i32
      %sign3A_127 = arith.extui %sign3A_126 : i1 to i32
      %sign3A_128 = arith.subi %sign3A_124, %sign3A_127 : i32
      %ne3A_129 = arith.cmpi ne, %sign3A_121, %sign3A_128 : i32
      %rem3A_130 = arith.remsi %squeeze3A_112, %jit3A_113 : i32
      %ne3A_131 = arith.constant 0 : i32
      %ne3A_132 = arith.cmpi ne, %rem3A_130, %ne3A_131 : i32
      %and3A_133 = arith.andi %ne3A_129, %ne3A_132 : i1
      %sub3A_134 = arith.constant 1 : i32
      %sub3A_135 = arith.subi %div3A_114, %sub3A_134 : i32
      %select_n3A_136 = arith.select %and3A_133, %sub3A_135, %div3A_114 : i32
      %mul3A_137 = arith.constant 128 : i32
      %mul3A_138 = arith.muli %select_n3A_136, %mul3A_137 : i32
      %multiple_of3A_139 = tpu.assume_multiple %mul3A_138, 128 : i32
      %dma_start3A = arith.constant 0 : i32
      %dma_start3A_140 = arith.constant 0 : i32
      %dma_start3A_141 = arith.constant 0 : i32
      %dma_start3A_142 = tpu.memref_slice %arg9[%dma_start3A, %dma_start3A_140, %dma_start3A_141] : memref<8x32x128xf32, #tpu.memory_space<vmem>> -> memref<1x32x128xf32, #tpu.memory_space<vmem>>
      %dma_start3A_143 = tpu.memref_squeeze %dma_start3A_142 : memref<1x32x128xf32, #tpu.memory_space<vmem>> -> memref<32x128xf32, #tpu.memory_space<vmem>>
      %dma_start3A_144 = arith.constant 0 : i32
      %dma_start3A_145 = tpu.memref_slice %arg4[%dma_start3A_144, %multiple_of3A] : memref<32x1000000xf32, #tpu.memory_space<hbm>> -> memref<32x128xf32, #tpu.memory_space<hbm>>
      %dma_start3A_146 = arith.constant 0 : i32
      %dma_start3A_147 = arith.constant 0 : i32
      %dma_start3A_148 = tpu.memref_slice %arg9[%dma_start3A, %dma_start3A_146, %dma_start3A_147] : memref<8x32x128xf32, #tpu.memory_space<vmem>> -> memref<1x32x128xf32, #tpu.memory_space<vmem>>
      %dma_start3A_149 = tpu.memref_squeeze %dma_start3A_148 : memref<1x32x128xf32, #tpu.memory_space<vmem>> -> memref<32x128xf32, #tpu.memory_space<vmem>>
      %dma_start3A_150 = arith.constant 0 : i32
      %dma_start3A_151 = tpu.memref_slice %arg4[%dma_start3A_150, %multiple_of3A] : memref<32x1000000xf32, #tpu.memory_space<hbm>> -> memref<32x128xf32, #tpu.memory_space<hbm>>
      tpu.enqueue_dma source(%dma_start3A_151 : memref<32x128xf32, #tpu.memory_space<hbm>>) target(%dma_start3A_149 : memref<32x128xf32, #tpu.memory_space<vmem>>) target_semaphore(%arg12 : memref<!tpu.dma_semaphore, #tpu.memory_space<semaphore_mem>>)
      %dma_start3A_152 = arith.constant 0 : i32
      %dma_start3A_153 = arith.constant 0 : i32
      %dma_start3A_154 = arith.constant 0 : i32
      %dma_start3A_155 = tpu.memref_slice %arg10[%dma_start3A_152, %dma_start3A_153, %dma_start3A_154] : memref<8x32x128xf32, #tpu.memory_space<vmem>> -> memref<1x32x128xf32, #tpu.memory_space<vmem>>
      %dma_start3A_156 = tpu.memref_squeeze %dma_start3A_155 : memref<1x32x128xf32, #tpu.memory_space<vmem>> -> memref<32x128xf32, #tpu.memory_space<vmem>>
      %dma_start3A_157 = arith.constant 0 : i32
      %dma_start3A_158 = tpu.memref_slice %arg5[%dma_start3A_157, %multiple_of3A_139] : memref<32x1000000xf32, #tpu.memory_space<hbm>> -> memref<32x128xf32, #tpu.memory_space<hbm>>
      %dma_start3A_159 = arith.constant 0 : i32
      %dma_start3A_160 = arith.constant 0 : i32
      %dma_start3A_161 = tpu.memref_slice %arg10[%dma_start3A_152, %dma_start3A_159, %dma_start3A_160] : memref<8x32x128xf32, #tpu.memory_space<vmem>> -> memref<1x32x128xf32, #tpu.memory_space<vmem>>
      %dma_start3A_162 = tpu.memref_squeeze %dma_start3A_161 : memref<1x32x128xf32, #tpu.memory_space<vmem>> -> memref<32x128xf32, #tpu.memory_space<vmem>>
      %dma_start3A_163 = arith.constant 0 : i32
      %dma_start3A_164 = tpu.memref_slice %arg5[%dma_start3A_163, %multiple_of3A_139] : memref<32x1000000xf32, #tpu.memory_space<hbm>> -> memref<32x128xf32, #tpu.memory_space<hbm>>
      tpu.enqueue_dma source(%dma_start3A_164 : memref<32x128xf32, #tpu.memory_space<hbm>>) target(%dma_start3A_162 : memref<32x128xf32, #tpu.memory_space<vmem>>) target_semaphore(%arg12 : memref<!tpu.dma_semaphore, #tpu.memory_space<semaphore_mem>>)
      %slice3A_165 = vector.extract_strided_slice %get3A_82 {offsets = [1], sizes = [1], strides = [1]} : vector<16xi32> to vector<1xi32>
      %squeeze3A_166 = vector.extract %slice3A_165[0] : i32 from vector<1xi32>
      %jit3A_167 = arith.constant 128 : i32
      %div3A_168 = arith.divsi %squeeze3A_166, %jit3A_167 : i32
      %sign3A_169 = arith.constant 0 : i32
      %sign3A_170 = arith.cmpi sgt, %squeeze3A_166, %sign3A_169 : i32
      %sign3A_171 = arith.extui %sign3A_170 : i1 to i32
      %sign3A_172 = arith.constant 0 : i32
      %sign3A_173 = arith.cmpi slt, %squeeze3A_166, %sign3A_172 : i32
      %sign3A_174 = arith.extui %sign3A_173 : i1 to i32
      %sign3A_175 = arith.subi %sign3A_171, %sign3A_174 : i32
      %sign3A_176 = arith.constant 0 : i32
      %sign3A_177 = arith.cmpi sgt, %jit3A_167, %sign3A_176 : i32
      %sign3A_178 = arith.extui %sign3A_177 : i1 to i32
      %sign3A_179 = arith.constant 0 : i32
      %sign3A_180 = arith.cmpi slt, %jit3A_167, %sign3A_179 : i32
      %sign3A_181 = arith.extui %sign3A_180 : i1 to i32
      %sign3A_182 = arith.subi %sign3A_178, %sign3A_181 : i32
      %ne3A_183 = arith.cmpi ne, %sign3A_175, %sign3A_182 : i32
      %rem3A_184 = arith.remsi %squeeze3A_166, %jit3A_167 : i32
      %ne3A_185 = arith.constant 0 : i32
      %ne3A_186 = arith.cmpi ne, %rem3A_184, %ne3A_185 : i32
      %and3A_187 = arith.andi %ne3A_183, %ne3A_186 : i1
      %sub3A_188 = arith.constant 1 : i32
      %sub3A_189 = arith.subi %div3A_168, %sub3A_188 : i32
      %select_n3A_190 = arith.select %and3A_187, %sub3A_189, %div3A_168 : i32
      %mul3A_191 = arith.constant 128 : i32
      %mul3A_192 = arith.muli %select_n3A_190, %mul3A_191 : i32
      %multiple_of3A_193 = tpu.assume_multiple %mul3A_192, 128 : i32
      %slice3A_194 = vector.extract_strided_slice %get3A_84 {offsets = [1], sizes = [1], strides = [1]} : vector<16xi32> to vector<1xi32>
      %squeeze3A_195 = vector.extract %slice3A_194[0] : i32 from vector<1xi32>
      %jit3A_196 = arith.constant 128 : i32
      %div3A_197 = arith.divsi %squeeze3A_195, %jit3A_196 : i32
      %sign3A_198 = arith.constant 0 : i32
      %sign3A_199 = arith.cmpi sgt, %squeeze3A_195, %sign3A_198 : i32
      %sign3A_200 = arith.extui %sign3A_199 : i1 to i32
      %sign3A_201 = arith.constant 0 : i32
      %sign3A_202 = arith.cmpi slt, %squeeze3A_195, %sign3A_201 : i32
      %sign3A_203 = arith.extui %sign3A_202 : i1 to i32
      %sign3A_204 = arith.subi %sign3A_200, %sign3A_203 : i32
      %sign3A_205 = arith.constant 0 : i32
      %sign3A_206 = arith.cmpi sgt, %jit3A_196, %sign3A_205 : i32
      %sign3A_207 = arith.extui %sign3A_206 : i1 to i32
      %sign3A_208 = arith.constant 0 : i32
      %sign3A_209 = arith.cmpi slt, %jit3A_196, %sign3A_208 : i32
      %sign3A_210 = arith.extui %sign3A_209 : i1 to i32
      %sign3A_211 = arith.subi %sign3A_207, %sign3A_210 : i32
      %ne3A_212 = arith.cmpi ne, %sign3A_204, %sign3A_211 : i32
      %rem3A_213 = arith.remsi %squeeze3A_195, %jit3A_196 : i32
      %ne3A_214 = arith.constant 0 : i32
      %ne3A_215 = arith.cmpi ne, %rem3A_213, %ne3A_214 : i32
      %and3A_216 = arith.andi %ne3A_212, %ne3A_215 : i1
      %sub3A_217 = arith.constant 1 : i32
      %sub3A_218 = arith.subi %div3A_197, %sub3A_217 : i32
      %select_n3A_219 = arith.select %and3A_216, %sub3A_218, %div3A_197 : i32
      %mul3A_220 = arith.constant 128 : i32
      %mul3A_221 = arith.muli %select_n3A_219, %mul3A_220 : i32
      %multiple_of3A_222 = tpu.assume_multiple %mul3A_221, 128 : i32
      %dma_start3A_223 = arith.constant 1 : i32
      %dma_start3A_224 = arith.constant 0 : i32
      %dma_start3A_225 = arith.constant 0 : i32
      %dma_start3A_226 = tpu.memref_slice %arg9[%dma_start3A_223, %dma_start3A_224, %dma_start3A_225] : memref<8x32x128xf32, #tpu.memory_space<vmem>> -> memref<1x32x128xf32, #tpu.memory_space<vmem>>
      %dma_start3A_227 = tpu.memref_squeeze %dma_start3A_226 : memref<1x32x128xf32, #tpu.memory_space<vmem>> -> memref<32x128xf32, #tpu.memory_space<vmem>>
      %dma_start3A_228 = arith.constant 0 : i32
      %dma_start3A_229 = tpu.memref_slice %arg4[%dma_start3A_228, %multiple_of3A_193] : memref<32x1000000xf32, #tpu.memory_space<hbm>> -> memref<32x128xf32, #tpu.memory_space<hbm>>
      %dma_start3A_230 = arith.constant 0 : i32
      %dma_start3A_231 = arith.constant 0 : i32
      %dma_start3A_232 = tpu.memref_slice %arg9[%dma_start3A_223, %dma_start3A_230, %dma_start3A_231] : memref<8x32x128xf32, #tpu.memory_space<vmem>> -> memref<1x32x128xf32, #tpu.memory_space<vmem>>
      %dma_start3A_233 = tpu.memref_squeeze %dma_start3A_232 : memref<1x32x128xf32, #tpu.memory_space<vmem>> -> memref<32x128xf32, #tpu.memory_space<vmem>>
      %dma_start3A_234 = arith.constant 0 : i32
      %dma_start3A_235 = tpu.memref_slice %arg4[%dma_start3A_234, %multiple_of3A_193] : memref<32x1000000xf32, #tpu.memory_space<hbm>> -> memref<32x128xf32, #tpu.memory_space<hbm>>
      tpu.enqueue_dma source(%dma_start3A_235 : memref<32x128xf32, #tpu.memory_space<hbm>>) target(%dma_start3A_233 : memref<32x128xf32, #tpu.memory_space<vmem>>) target_semaphore(%arg12 : memref<!tpu.dma_semaphore, #tpu.memory_space<semaphore_mem>>)
      %dma_start3A_236 = arith.constant 1 : i32
      %dma_start3A_237 = arith.constant 0 : i32
      %dma_start3A_238 = arith.constant 0 : i32
      %dma_start3A_239 = tpu.memref_slice %arg10[%dma_start3A_236, %dma_start3A_237, %dma_start3A_238] : memref<8x32x128xf32, #tpu.memory_space<vmem>> -> memref<1x32x128xf32, #tpu.memory_space<vmem>>
      %dma_start3A_240 = tpu.memref_squeeze %dma_start3A_239 : memref<1x32x128xf32, #tpu.memory_space<vmem>> -> memref<32x128xf32, #tpu.memory_space<vmem>>
      %dma_start3A_241 = arith.constant 0 : i32
      %dma_start3A_242 = tpu.memref_slice %arg5[%dma_start3A_241, %multiple_of3A_222] : memref<32x1000000xf32, #tpu.memory_space<hbm>> -> memref<32x128xf32, #tpu.memory_space<hbm>>
      %dma_start3A_243 = arith.constant 0 : i32
      %dma_start3A_244 = arith.constant 0 : i32
      %dma_start3A_245 = tpu.memref_slice %arg10[%dma_start3A_236, %dma_start3A_243, %dma_start3A_244] : memref<8x32x128xf32, #tpu.memory_space<vmem>> -> memref<1x32x128xf32, #tpu.memory_space<vmem>>
      %dma_start3A_246 = tpu.memref_squeeze %dma_start3A_245 : memref<1x32x128xf32, #tpu.memory_space<vmem>> -> memref<32x128xf32, #tpu.memory_space<vmem>>
      %dma_start3A_247 = arith.constant 0 : i32
      %dma_start3A_248 = tpu.memref_slice %arg5[%dma_start3A_247, %multiple_of3A_222] : memref<32x1000000xf32, #tpu.memory_space<hbm>> -> memref<32x128xf32, #tpu.memory_space<hbm>>
      tpu.enqueue_dma source(%dma_start3A_248 : memref<32x128xf32, #tpu.memory_space<hbm>>) target(%dma_start3A_246 : memref<32x128xf32, #tpu.memory_space<vmem>>) target_semaphore(%arg12 : memref<!tpu.dma_semaphore, #tpu.memory_space<semaphore_mem>>)
      %slice3A_249 = vector.extract_strided_slice %get3A_82 {offsets = [2], sizes = [1], strides = [1]} : vector<16xi32> to vector<1xi32>
      %squeeze3A_250 = vector.extract %slice3A_249[0] : i32 from vector<1xi32>
      %jit3A_251 = arith.constant 128 : i32
      %div3A_252 = arith.divsi %squeeze3A_250, %jit3A_251 : i32
      %sign3A_253 = arith.constant 0 : i32
      %sign3A_254 = arith.cmpi sgt, %squeeze3A_250, %sign3A_253 : i32
      %sign3A_255 = arith.extui %sign3A_254 : i1 to i32
      %sign3A_256 = arith.constant 0 : i32
      %sign3A_257 = arith.cmpi slt, %squeeze3A_250, %sign3A_256 : i32
      %sign3A_258 = arith.extui %sign3A_257 : i1 to i32
      %sign3A_259 = arith.subi %sign3A_255, %sign3A_258 : i32
      %sign3A_260 = arith.constant 0 : i32
      %sign3A_261 = arith.cmpi sgt, %jit3A_251, %sign3A_260 : i32
      %sign3A_262 = arith.extui %sign3A_261 : i1 to i32
      %sign3A_263 = arith.constant 0 : i32
      %sign3A_264 = arith.cmpi slt, %jit3A_251, %sign3A_263 : i32
      %sign3A_265 = arith.extui %sign3A_264 : i1 to i32
      %sign3A_266 = arith.subi %sign3A_262, %sign3A_265 : i32
      %ne3A_267 = arith.cmpi ne, %sign3A_259, %sign3A_266 : i32
      %rem3A_268 = arith.remsi %squeeze3A_250, %jit3A_251 : i32
      %ne3A_269 = arith.constant 0 : i32
      %ne3A_270 = arith.cmpi ne, %rem3A_268, %ne3A_269 : i32
      %and3A_271 = arith.andi %ne3A_267, %ne3A_270 : i1
      %sub3A_272 = arith.constant 1 : i32
      %sub3A_273 = arith.subi %div3A_252, %sub3A_272 : i32
      %select_n3A_274 = arith.select %and3A_271, %sub3A_273, %div3A_252 : i32
      %mul3A_275 = arith.constant 128 : i32
      %mul3A_276 = arith.muli %select_n3A_274, %mul3A_275 : i32
      %multiple_of3A_277 = tpu.assume_multiple %mul3A_276, 128 : i32
      %slice3A_278 = vector.extract_strided_slice %get3A_84 {offsets = [2], sizes = [1], strides = [1]} : vector<16xi32> to vector<1xi32>
      %squeeze3A_279 = vector.extract %slice3A_278[0] : i32 from vector<1xi32>
      %jit3A_280 = arith.constant 128 : i32
      %div3A_281 = arith.divsi %squeeze3A_279, %jit3A_280 : i32
      %sign3A_282 = arith.constant 0 : i32
      %sign3A_283 = arith.cmpi sgt, %squeeze3A_279, %sign3A_282 : i32
      %sign3A_284 = arith.extui %sign3A_283 : i1 to i32
      %sign3A_285 = arith.constant 0 : i32
      %sign3A_286 = arith.cmpi slt, %squeeze3A_279, %sign3A_285 : i32
      %sign3A_287 = arith.extui %sign3A_286 : i1 to i32
      %sign3A_288 = arith.subi %sign3A_284, %sign3A_287 : i32
      %sign3A_289 = arith.constant 0 : i32
      %sign3A_290 = arith.cmpi sgt, %jit3A_280, %sign3A_289 : i32
      %sign3A_291 = arith.extui %sign3A_290 : i1 to i32
      %sign3A_292 = arith.constant 0 : i32
      %sign3A_293 = arith.cmpi slt, %jit3A_280, %sign3A_292 : i32
      %sign3A_294 = arith.extui %sign3A_293 : i1 to i32
      %sign3A_295 = arith.subi %sign3A_291, %sign3A_294 : i32
      %ne3A_296 = arith.cmpi ne, %sign3A_288, %sign3A_295 : i32
      %rem3A_297 = arith.remsi %squeeze3A_279, %jit3A_280 : i32
      %ne3A_298 = arith.constant 0 : i32
      %ne3A_299 = arith.cmpi ne, %rem3A_297, %ne3A_298 : i32
      %and3A_300 = arith.andi %ne3A_296, %ne3A_299 : i1
      %sub3A_301 = arith.constant 1 : i32
      %sub3A_302 = arith.subi %div3A_281, %sub3A_301 : i32
      %select_n3A_303 = arith.select %and3A_300, %sub3A_302, %div3A_281 : i32
      %mul3A_304 = arith.constant 128 : i32
      %mul3A_305 = arith.muli %select_n3A_303, %mul3A_304 : i32
      %multiple_of3A_306 = tpu.assume_multiple %mul3A_305, 128 : i32
      %dma_start3A_307 = arith.constant 2 : i32
      %dma_start3A_308 = arith.constant 0 : i32
      %dma_start3A_309 = arith.constant 0 : i32
      %dma_start3A_310 = tpu.memref_slice %arg9[%dma_start3A_307, %dma_start3A_308, %dma_start3A_309] : memref<8x32x128xf32, #tpu.memory_space<vmem>> -> memref<1x32x128xf32, #tpu.memory_space<vmem>>
      %dma_start3A_311 = tpu.memref_squeeze %dma_start3A_310 : memref<1x32x128xf32, #tpu.memory_space<vmem>> -> memref<32x128xf32, #tpu.memory_space<vmem>>
      %dma_start3A_312 = arith.constant 0 : i32
      %dma_start3A_313 = tpu.memref_slice %arg4[%dma_start3A_312, %multiple_of3A_277] : memref<32x1000000xf32, #tpu.memory_space<hbm>> -> memref<32x128xf32, #tpu.memory_space<hbm>>
      %dma_start3A_314 = arith.constant 0 : i32
      %dma_start3A_315 = arith.constant 0 : i32
      %dma_start3A_316 = tpu.memref_slice %arg9[%dma_start3A_307, %dma_start3A_314, %dma_start3A_315] : memref<8x32x128xf32, #tpu.memory_space<vmem>> -> memref<1x32x128xf32, #tpu.memory_space<vmem>>
      %dma_start3A_317 = tpu.memref_squeeze %dma_start3A_316 : memref<1x32x128xf32, #tpu.memory_space<vmem>> -> memref<32x128xf32, #tpu.memory_space<vmem>>
      %dma_start3A_318 = arith.constant 0 : i32
      %dma_start3A_319 = tpu.memref_slice %arg4[%dma_start3A_318, %multiple_of3A_277] : memref<32x1000000xf32, #tpu.memory_space<hbm>> -> memref<32x128xf32, #tpu.memory_space<hbm>>
      tpu.enqueue_dma source(%dma_start3A_319 : memref<32x128xf32, #tpu.memory_space<hbm>>) target(%dma_start3A_317 : memref<32x128xf32, #tpu.memory_space<vmem>>) target_semaphore(%arg12 : memref<!tpu.dma_semaphore, #tpu.memory_space<semaphore_mem>>)
      %dma_start3A_320 = arith.constant 2 : i32
      %dma_start3A_321 = arith.constant 0 : i32
      %dma_start3A_322 = arith.constant 0 : i32
      %dma_start3A_323 = tpu.memref_slice %arg10[%dma_start3A_320, %dma_start3A_321, %dma_start3A_322] : memref<8x32x128xf32, #tpu.memory_space<vmem>> -> memref<1x32x128xf32, #tpu.memory_space<vmem>>
      %dma_start3A_324 = tpu.memref_squeeze %dma_start3A_323 : memref<1x32x128xf32, #tpu.memory_space<vmem>> -> memref<32x128xf32, #tpu.memory_space<vmem>>
      %dma_start3A_325 = arith.constant 0 : i32
      %dma_start3A_326 = tpu.memref_slice %arg5[%dma_start3A_325, %multiple_of3A_306] : memref<32x1000000xf32, #tpu.memory_space<hbm>> -> memref<32x128xf32, #tpu.memory_space<hbm>>
      %dma_start3A_327 = arith.constant 0 : i32
      %dma_start3A_328 = arith.constant 0 : i32
      %dma_start3A_329 = tpu.memref_slice %arg10[%dma_start3A_320, %dma_start3A_327, %dma_start3A_328] : memref<8x32x128xf32, #tpu.memory_space<vmem>> -> memref<1x32x128xf32, #tpu.memory_space<vmem>>
      %dma_start3A_330 = tpu.memref_squeeze %dma_start3A_329 : memref<1x32x128xf32, #tpu.memory_space<vmem>> -> memref<32x128xf32, #tpu.memory_space<vmem>>
      %dma_start3A_331 = arith.constant 0 : i32
      %dma_start3A_332 = tpu.memref_slice %arg5[%dma_start3A_331, %multiple_of3A_306] : memref<32x1000000xf32, #tpu.memory_space<hbm>> -> memref<32x128xf32, #tpu.memory_space<hbm>>
      tpu.enqueue_dma source(%dma_start3A_332 : memref<32x128xf32, #tpu.memory_space<hbm>>) target(%dma_start3A_330 : memref<32x128xf32, #tpu.memory_space<vmem>>) target_semaphore(%arg12 : memref<!tpu.dma_semaphore, #tpu.memory_space<semaphore_mem>>)
      %slice3A_333 = vector.extract_strided_slice %get3A_82 {offsets = [3], sizes = [1], strides = [1]} : vector<16xi32> to vector<1xi32>
      %squeeze3A_334 = vector.extract %slice3A_333[0] : i32 from vector<1xi32>
      %jit3A_335 = arith.constant 128 : i32
      %div3A_336 = arith.divsi %squeeze3A_334, %jit3A_335 : i32
      %sign3A_337 = arith.constant 0 : i32
      %sign3A_338 = arith.cmpi sgt, %squeeze3A_334, %sign3A_337 : i32
      %sign3A_339 = arith.extui %sign3A_338 : i1 to i32
      %sign3A_340 = arith.constant 0 : i32
      %sign3A_341 = arith.cmpi slt, %squeeze3A_334, %sign3A_340 : i32
      %sign3A_342 = arith.extui %sign3A_341 : i1 to i32
      %sign3A_343 = arith.subi %sign3A_339, %sign3A_342 : i32
      %sign3A_344 = arith.constant 0 : i32
      %sign3A_345 = arith.cmpi sgt, %jit3A_335, %sign3A_344 : i32
      %sign3A_346 = arith.extui %sign3A_345 : i1 to i32
      %sign3A_347 = arith.constant 0 : i32
      %sign3A_348 = arith.cmpi slt, %jit3A_335, %sign3A_347 : i32
      %sign3A_349 = arith.extui %sign3A_348 : i1 to i32
      %sign3A_350 = arith.subi %sign3A_346, %sign3A_349 : i32
      %ne3A_351 = arith.cmpi ne, %sign3A_343, %sign3A_350 : i32
      %rem3A_352 = arith.remsi %squeeze3A_334, %jit3A_335 : i32
      %ne3A_353 = arith.constant 0 : i32
      %ne3A_354 = arith.cmpi ne, %rem3A_352, %ne3A_353 : i32
      %and3A_355 = arith.andi %ne3A_351, %ne3A_354 : i1
      %sub3A_356 = arith.constant 1 : i32
      %sub3A_357 = arith.subi %div3A_336, %sub3A_356 : i32
      %select_n3A_358 = arith.select %and3A_355, %sub3A_357, %div3A_336 : i32
      %mul3A_359 = arith.constant 128 : i32
      %mul3A_360 = arith.muli %select_n3A_358, %mul3A_359 : i32
      %multiple_of3A_361 = tpu.assume_multiple %mul3A_360, 128 : i32
      %slice3A_362 = vector.extract_strided_slice %get3A_84 {offsets = [3], sizes = [1], strides = [1]} : vector<16xi32> to vector<1xi32>
      %squeeze3A_363 = vector.extract %slice3A_362[0] : i32 from vector<1xi32>
      %jit3A_364 = arith.constant 128 : i32
      %div3A_365 = arith.divsi %squeeze3A_363, %jit3A_364 : i32
      %sign3A_366 = arith.constant 0 : i32
      %sign3A_367 = arith.cmpi sgt, %squeeze3A_363, %sign3A_366 : i32
      %sign3A_368 = arith.extui %sign3A_367 : i1 to i32
      %sign3A_369 = arith.constant 0 : i32
      %sign3A_370 = arith.cmpi slt, %squeeze3A_363, %sign3A_369 : i32
      %sign3A_371 = arith.extui %sign3A_370 : i1 to i32
      %sign3A_372 = arith.subi %sign3A_368, %sign3A_371 : i32
      %sign3A_373 = arith.constant 0 : i32
      %sign3A_374 = arith.cmpi sgt, %jit3A_364, %sign3A_373 : i32
      %sign3A_375 = arith.extui %sign3A_374 : i1 to i32
      %sign3A_376 = arith.constant 0 : i32
      %sign3A_377 = arith.cmpi slt, %jit3A_364, %sign3A_376 : i32
      %sign3A_378 = arith.extui %sign3A_377 : i1 to i32
      %sign3A_379 = arith.subi %sign3A_375, %sign3A_378 : i32
      %ne3A_380 = arith.cmpi ne, %sign3A_372, %sign3A_379 : i32
      %rem3A_381 = arith.remsi %squeeze3A_363, %jit3A_364 : i32
      %ne3A_382 = arith.constant 0 : i32
      %ne3A_383 = arith.cmpi ne, %rem3A_381, %ne3A_382 : i32
      %and3A_384 = arith.andi %ne3A_380, %ne3A_383 : i1
      %sub3A_385 = arith.constant 1 : i32
      %sub3A_386 = arith.subi %div3A_365, %sub3A_385 : i32
      %select_n3A_387 = arith.select %and3A_384, %sub3A_386, %div3A_365 : i32
      %mul3A_388 = arith.constant 128 : i32
      %mul3A_389 = arith.muli %select_n3A_387, %mul3A_388 : i32
      %multiple_of3A_390 = tpu.assume_multiple %mul3A_389, 128 : i32
      %dma_start3A_391 = arith.constant 3 : i32
      %dma_start3A_392 = arith.constant 0 : i32
      %dma_start3A_393 = arith.constant 0 : i32
      %dma_start3A_394 = tpu.memref_slice %arg9[%dma_start3A_391, %dma_start3A_392, %dma_start3A_393] : memref<8x32x128xf32, #tpu.memory_space<vmem>> -> memref<1x32x128xf32, #tpu.memory_space<vmem>>
      %dma_start3A_395 = tpu.memref_squeeze %dma_start3A_394 : memref<1x32x128xf32, #tpu.memory_space<vmem>> -> memref<32x128xf32, #tpu.memory_space<vmem>>
      %dma_start3A_396 = arith.constant 0 : i32
      %dma_start3A_397 = tpu.memref_slice %arg4[%dma_start3A_396, %multiple_of3A_361] : memref<32x1000000xf32, #tpu.memory_space<hbm>> -> memref<32x128xf32, #tpu.memory_space<hbm>>
      %dma_start3A_398 = arith.constant 0 : i32
      %dma_start3A_399 = arith.constant 0 : i32
      %dma_start3A_400 = tpu.memref_slice %arg9[%dma_start3A_391, %dma_start3A_398, %dma_start3A_399] : memref<8x32x128xf32, #tpu.memory_space<vmem>> -> memref<1x32x128xf32, #tpu.memory_space<vmem>>
      %dma_start3A_401 = tpu.memref_squeeze %dma_start3A_400 : memref<1x32x128xf32, #tpu.memory_space<vmem>> -> memref<32x128xf32, #tpu.memory_space<vmem>>
      %dma_start3A_402 = arith.constant 0 : i32
      %dma_start3A_403 = tpu.memref_slice %arg4[%dma_start3A_402, %multiple_of3A_361] : memref<32x1000000xf32, #tpu.memory_space<hbm>> -> memref<32x128xf32, #tpu.memory_space<hbm>>
      tpu.enqueue_dma source(%dma_start3A_403 : memref<32x128xf32, #tpu.memory_space<hbm>>) target(%dma_start3A_401 : memref<32x128xf32, #tpu.memory_space<vmem>>) target_semaphore(%arg12 : memref<!tpu.dma_semaphore, #tpu.memory_space<semaphore_mem>>)
      %dma_start3A_404 = arith.constant 3 : i32
      %dma_start3A_405 = arith.constant 0 : i32
      %dma_start3A_406 = arith.constant 0 : i32
      %dma_start3A_407 = tpu.memref_slice %arg10[%dma_start3A_404, %dma_start3A_405, %dma_start3A_406] : memref<8x32x128xf32, #tpu.memory_space<vmem>> -> memref<1x32x128xf32, #tpu.memory_space<vmem>>
      %dma_start3A_408 = tpu.memref_squeeze %dma_start3A_407 : memref<1x32x128xf32, #tpu.memory_space<vmem>> -> memref<32x128xf32, #tpu.memory_space<vmem>>
      %dma_start3A_409 = arith.constant 0 : i32
      %dma_start3A_410 = tpu.memref_slice %arg5[%dma_start3A_409, %multiple_of3A_390] : memref<32x1000000xf32, #tpu.memory_space<hbm>> -> memref<32x128xf32, #tpu.memory_space<hbm>>
      %dma_start3A_411 = arith.constant 0 : i32
      %dma_start3A_412 = arith.constant 0 : i32
      %dma_start3A_413 = tpu.memref_slice %arg10[%dma_start3A_404, %dma_start3A_411, %dma_start3A_412] : memref<8x32x128xf32, #tpu.memory_space<vmem>> -> memref<1x32x128xf32, #tpu.memory_space<vmem>>
      %dma_start3A_414 = tpu.memref_squeeze %dma_start3A_413 : memref<1x32x128xf32, #tpu.memory_space<vmem>> -> memref<32x128xf32, #tpu.memory_space<vmem>>
      %dma_start3A_415 = arith.constant 0 : i32
      %dma_start3A_416 = tpu.memref_slice %arg5[%dma_start3A_415, %multiple_of3A_390] : memref<32x1000000xf32, #tpu.memory_space<hbm>> -> memref<32x128xf32, #tpu.memory_space<hbm>>
      tpu.enqueue_dma source(%dma_start3A_416 : memref<32x128xf32, #tpu.memory_space<hbm>>) target(%dma_start3A_414 : memref<32x128xf32, #tpu.memory_space<vmem>>) target_semaphore(%arg12 : memref<!tpu.dma_semaphore, #tpu.memory_space<semaphore_mem>>)
      %slice3A_417 = vector.extract_strided_slice %get3A_82 {offsets = [4], sizes = [1], strides = [1]} : vector<16xi32> to vector<1xi32>
      %squeeze3A_418 = vector.extract %slice3A_417[0] : i32 from vector<1xi32>
      %jit3A_419 = arith.constant 128 : i32
      %div3A_420 = arith.divsi %squeeze3A_418, %jit3A_419 : i32
      %sign3A_421 = arith.constant 0 : i32
      %sign3A_422 = arith.cmpi sgt, %squeeze3A_418, %sign3A_421 : i32
      %sign3A_423 = arith.extui %sign3A_422 : i1 to i32
      %sign3A_424 = arith.constant 0 : i32
      %sign3A_425 = arith.cmpi slt, %squeeze3A_418, %sign3A_424 : i32
      %sign3A_426 = arith.extui %sign3A_425 : i1 to i32
      %sign3A_427 = arith.subi %sign3A_423, %sign3A_426 : i32
      %sign3A_428 = arith.constant 0 : i32
      %sign3A_429 = arith.cmpi sgt, %jit3A_419, %sign3A_428 : i32
      %sign3A_430 = arith.extui %sign3A_429 : i1 to i32
      %sign3A_431 = arith.constant 0 : i32
      %sign3A_432 = arith.cmpi slt, %jit3A_419, %sign3A_431 : i32
      %sign3A_433 = arith.extui %sign3A_432 : i1 to i32
      %sign3A_434 = arith.subi %sign3A_430, %sign3A_433 : i32
      %ne3A_435 = arith.cmpi ne, %sign3A_427, %sign3A_434 : i32
      %rem3A_436 = arith.remsi %squeeze3A_418, %jit3A_419 : i32
      %ne3A_437 = arith.constant 0 : i32
      %ne3A_438 = arith.cmpi ne, %rem3A_436, %ne3A_437 : i32
      %and3A_439 = arith.andi %ne3A_435, %ne3A_438 : i1
      %sub3A_440 = arith.constant 1 : i32
      %sub3A_441 = arith.subi %div3A_420, %sub3A_440 : i32
      %select_n3A_442 = arith.select %and3A_439, %sub3A_441, %div3A_420 : i32
      %mul3A_443 = arith.constant 128 : i32
      %mul3A_444 = arith.muli %select_n3A_442, %mul3A_443 : i32
      %multiple_of3A_445 = tpu.assume_multiple %mul3A_444, 128 : i32
      %slice3A_446 = vector.extract_strided_slice %get3A_84 {offsets = [4], sizes = [1], strides = [1]} : vector<16xi32> to vector<1xi32>
      %squeeze3A_447 = vector.extract %slice3A_446[0] : i32 from vector<1xi32>
      %jit3A_448 = arith.constant 128 : i32
      %div3A_449 = arith.divsi %squeeze3A_447, %jit3A_448 : i32
      %sign3A_450 = arith.constant 0 : i32
      %sign3A_451 = arith.cmpi sgt, %squeeze3A_447, %sign3A_450 : i32
      %sign3A_452 = arith.extui %sign3A_451 : i1 to i32
      %sign3A_453 = arith.constant 0 : i32
      %sign3A_454 = arith.cmpi slt, %squeeze3A_447, %sign3A_453 : i32
      %sign3A_455 = arith.extui %sign3A_454 : i1 to i32
      %sign3A_456 = arith.subi %sign3A_452, %sign3A_455 : i32
      %sign3A_457 = arith.constant 0 : i32
      %sign3A_458 = arith.cmpi sgt, %jit3A_448, %sign3A_457 : i32
      %sign3A_459 = arith.extui %sign3A_458 : i1 to i32
      %sign3A_460 = arith.constant 0 : i32
      %sign3A_461 = arith.cmpi slt, %jit3A_448, %sign3A_460 : i32
      %sign3A_462 = arith.extui %sign3A_461 : i1 to i32
      %sign3A_463 = arith.subi %sign3A_459, %sign3A_462 : i32
      %ne3A_464 = arith.cmpi ne, %sign3A_456, %sign3A_463 : i32
      %rem3A_465 = arith.remsi %squeeze3A_447, %jit3A_448 : i32
      %ne3A_466 = arith.constant 0 : i32
      %ne3A_467 = arith.cmpi ne, %rem3A_465, %ne3A_466 : i32
      %and3A_468 = arith.andi %ne3A_464, %ne3A_467 : i1
      %sub3A_469 = arith.constant 1 : i32
      %sub3A_470 = arith.subi %div3A_449, %sub3A_469 : i32
      %select_n3A_471 = arith.select %and3A_468, %sub3A_470, %div3A_449 : i32
      %mul3A_472 = arith.constant 128 : i32
      %mul3A_473 = arith.muli %select_n3A_471, %mul3A_472 : i32
      %multiple_of3A_474 = tpu.assume_multiple %mul3A_473, 128 : i32
      %dma_start3A_475 = arith.constant 4 : i32
      %dma_start3A_476 = arith.constant 0 : i32
      %dma_start3A_477 = arith.constant 0 : i32
      %dma_start3A_478 = tpu.memref_slice %arg9[%dma_start3A_475, %dma_start3A_476, %dma_start3A_477] : memref<8x32x128xf32, #tpu.memory_space<vmem>> -> memref<1x32x128xf32, #tpu.memory_space<vmem>>
      %dma_start3A_479 = tpu.memref_squeeze %dma_start3A_478 : memref<1x32x128xf32, #tpu.memory_space<vmem>> -> memref<32x128xf32, #tpu.memory_space<vmem>>
      %dma_start3A_480 = arith.constant 0 : i32
      %dma_start3A_481 = tpu.memref_slice %arg4[%dma_start3A_480, %multiple_of3A_445] : memref<32x1000000xf32, #tpu.memory_space<hbm>> -> memref<32x128xf32, #tpu.memory_space<hbm>>
      %dma_start3A_482 = arith.constant 0 : i32
      %dma_start3A_483 = arith.constant 0 : i32
      %dma_start3A_484 = tpu.memref_slice %arg9[%dma_start3A_475, %dma_start3A_482, %dma_start3A_483] : memref<8x32x128xf32, #tpu.memory_space<vmem>> -> memref<1x32x128xf32, #tpu.memory_space<vmem>>
      %dma_start3A_485 = tpu.memref_squeeze %dma_start3A_484 : memref<1x32x128xf32, #tpu.memory_space<vmem>> -> memref<32x128xf32, #tpu.memory_space<vmem>>
      %dma_start3A_486 = arith.constant 0 : i32
      %dma_start3A_487 = tpu.memref_slice %arg4[%dma_start3A_486, %multiple_of3A_445] : memref<32x1000000xf32, #tpu.memory_space<hbm>> -> memref<32x128xf32, #tpu.memory_space<hbm>>
      tpu.enqueue_dma source(%dma_start3A_487 : memref<32x128xf32, #tpu.memory_space<hbm>>) target(%dma_start3A_485 : memref<32x128xf32, #tpu.memory_space<vmem>>) target_semaphore(%arg12 : memref<!tpu.dma_semaphore, #tpu.memory_space<semaphore_mem>>)
      %dma_start3A_488 = arith.constant 4 : i32
      %dma_start3A_489 = arith.constant 0 : i32
      %dma_start3A_490 = arith.constant 0 : i32
      %dma_start3A_491 = tpu.memref_slice %arg10[%dma_start3A_488, %dma_start3A_489, %dma_start3A_490] : memref<8x32x128xf32, #tpu.memory_space<vmem>> -> memref<1x32x128xf32, #tpu.memory_space<vmem>>
      %dma_start3A_492 = tpu.memref_squeeze %dma_start3A_491 : memref<1x32x128xf32, #tpu.memory_space<vmem>> -> memref<32x128xf32, #tpu.memory_space<vmem>>
      %dma_start3A_493 = arith.constant 0 : i32
      %dma_start3A_494 = tpu.memref_slice %arg5[%dma_start3A_493, %multiple_of3A_474] : memref<32x1000000xf32, #tpu.memory_space<hbm>> -> memref<32x128xf32, #tpu.memory_space<hbm>>
      %dma_start3A_495 = arith.constant 0 : i32
      %dma_start3A_496 = arith.constant 0 : i32
      %dma_start3A_497 = tpu.memref_slice %arg10[%dma_start3A_488, %dma_start3A_495, %dma_start3A_496] : memref<8x32x128xf32, #tpu.memory_space<vmem>> -> memref<1x32x128xf32, #tpu.memory_space<vmem>>
      %dma_start3A_498 = tpu.memref_squeeze %dma_start3A_497 : memref<1x32x128xf32, #tpu.memory_space<vmem>> -> memref<32x128xf32, #tpu.memory_space<vmem>>
      %dma_start3A_499 = arith.constant 0 : i32
      %dma_start3A_500 = tpu.memref_slice %arg5[%dma_start3A_499, %multiple_of3A_474] : memref<32x1000000xf32, #tpu.memory_space<hbm>> -> memref<32x128xf32, #tpu.memory_space<hbm>>
      tpu.enqueue_dma source(%dma_start3A_500 : memref<32x128xf32, #tpu.memory_space<hbm>>) target(%dma_start3A_498 : memref<32x128xf32, #tpu.memory_space<vmem>>) target_semaphore(%arg12 : memref<!tpu.dma_semaphore, #tpu.memory_space<semaphore_mem>>)
      %slice3A_501 = vector.extract_strided_slice %get3A_82 {offsets = [5], sizes = [1], strides = [1]} : vector<16xi32> to vector<1xi32>
      %squeeze3A_502 = vector.extract %slice3A_501[0] : i32 from vector<1xi32>
      %jit3A_503 = arith.constant 128 : i32
      %div3A_504 = arith.divsi %squeeze3A_502, %jit3A_503 : i32
      %sign3A_505 = arith.constant 0 : i32
      %sign3A_506 = arith.cmpi sgt, %squeeze3A_502, %sign3A_505 : i32
      %sign3A_507 = arith.extui %sign3A_506 : i1 to i32
      %sign3A_508 = arith.constant 0 : i32
      %sign3A_509 = arith.cmpi slt, %squeeze3A_502, %sign3A_508 : i32
      %sign3A_510 = arith.extui %sign3A_509 : i1 to i32
      %sign3A_511 = arith.subi %sign3A_507, %sign3A_510 : i32
      %sign3A_512 = arith.constant 0 : i32
      %sign3A_513 = arith.cmpi sgt, %jit3A_503, %sign3A_512 : i32
      %sign3A_514 = arith.extui %sign3A_513 : i1 to i32
      %sign3A_515 = arith.constant 0 : i32
      %sign3A_516 = arith.cmpi slt, %jit3A_503, %sign3A_515 : i32
      %sign3A_517 = arith.extui %sign3A_516 : i1 to i32
      %sign3A_518 = arith.subi %sign3A_514, %sign3A_517 : i32
      %ne3A_519 = arith.cmpi ne, %sign3A_511, %sign3A_518 : i32
      %rem3A_520 = arith.remsi %squeeze3A_502, %jit3A_503 : i32
      %ne3A_521 = arith.constant 0 : i32
      %ne3A_522 = arith.cmpi ne, %rem3A_520, %ne3A_521 : i32
      %and3A_523 = arith.andi %ne3A_519, %ne3A_522 : i1
      %sub3A_524 = arith.constant 1 : i32
      %sub3A_525 = arith.subi %div3A_504, %sub3A_524 : i32
      %select_n3A_526 = arith.select %and3A_523, %sub3A_525, %div3A_504 : i32
      %mul3A_527 = arith.constant 128 : i32
      %mul3A_528 = arith.muli %select_n3A_526, %mul3A_527 : i32
      %multiple_of3A_529 = tpu.assume_multiple %mul3A_528, 128 : i32
      %slice3A_530 = vector.extract_strided_slice %get3A_84 {offsets = [5], sizes = [1], strides = [1]} : vector<16xi32> to vector<1xi32>
      %squeeze3A_531 = vector.extract %slice3A_530[0] : i32 from vector<1xi32>
      %jit3A_532 = arith.constant 128 : i32
      %div3A_533 = arith.divsi %squeeze3A_531, %jit3A_532 : i32
      %sign3A_534 = arith.constant 0 : i32
      %sign3A_535 = arith.cmpi sgt, %squeeze3A_531, %sign3A_534 : i32
      %sign3A_536 = arith.extui %sign3A_535 : i1 to i32
      %sign3A_537 = arith.constant 0 : i32
      %sign3A_538 = arith.cmpi slt, %squeeze3A_531, %sign3A_537 : i32
      %sign3A_539 = arith.extui %sign3A_538 : i1 to i32
      %sign3A_540 = arith.subi %sign3A_536, %sign3A_539 : i32
      %sign3A_541 = arith.constant 0 : i32
      %sign3A_542 = arith.cmpi sgt, %jit3A_532, %sign3A_541 : i32
      %sign3A_543 = arith.extui %sign3A_542 : i1 to i32
      %sign3A_544 = arith.constant 0 : i32
      %sign3A_545 = arith.cmpi slt, %jit3A_532, %sign3A_544 : i32
      %sign3A_546 = arith.extui %sign3A_545 : i1 to i32
      %sign3A_547 = arith.subi %sign3A_543, %sign3A_546 : i32
      %ne3A_548 = arith.cmpi ne, %sign3A_540, %sign3A_547 : i32
      %rem3A_549 = arith.remsi %squeeze3A_531, %jit3A_532 : i32
      %ne3A_550 = arith.constant 0 : i32
      %ne3A_551 = arith.cmpi ne, %rem3A_549, %ne3A_550 : i32
      %and3A_552 = arith.andi %ne3A_548, %ne3A_551 : i1
      %sub3A_553 = arith.constant 1 : i32
      %sub3A_554 = arith.subi %div3A_533, %sub3A_553 : i32
      %select_n3A_555 = arith.select %and3A_552, %sub3A_554, %div3A_533 : i32
      %mul3A_556 = arith.constant 128 : i32
      %mul3A_557 = arith.muli %select_n3A_555, %mul3A_556 : i32
      %multiple_of3A_558 = tpu.assume_multiple %mul3A_557, 128 : i32
      %dma_start3A_559 = arith.constant 5 : i32
      %dma_start3A_560 = arith.constant 0 : i32
      %dma_start3A_561 = arith.constant 0 : i32
      %dma_start3A_562 = tpu.memref_slice %arg9[%dma_start3A_559, %dma_start3A_560, %dma_start3A_561] : memref<8x32x128xf32, #tpu.memory_space<vmem>> -> memref<1x32x128xf32, #tpu.memory_space<vmem>>
      %dma_start3A_563 = tpu.memref_squeeze %dma_start3A_562 : memref<1x32x128xf32, #tpu.memory_space<vmem>> -> memref<32x128xf32, #tpu.memory_space<vmem>>
      %dma_start3A_564 = arith.constant 0 : i32
      %dma_start3A_565 = tpu.memref_slice %arg4[%dma_start3A_564, %multiple_of3A_529] : memref<32x1000000xf32, #tpu.memory_space<hbm>> -> memref<32x128xf32, #tpu.memory_space<hbm>>
      %dma_start3A_566 = arith.constant 0 : i32
      %dma_start3A_567 = arith.constant 0 : i32
      %dma_start3A_568 = tpu.memref_slice %arg9[%dma_start3A_559, %dma_start3A_566, %dma_start3A_567] : memref<8x32x128xf32, #tpu.memory_space<vmem>> -> memref<1x32x128xf32, #tpu.memory_space<vmem>>
      %dma_start3A_569 = tpu.memref_squeeze %dma_start3A_568 : memref<1x32x128xf32, #tpu.memory_space<vmem>> -> memref<32x128xf32, #tpu.memory_space<vmem>>
      %dma_start3A_570 = arith.constant 0 : i32
      %dma_start3A_571 = tpu.memref_slice %arg4[%dma_start3A_570, %multiple_of3A_529] : memref<32x1000000xf32, #tpu.memory_space<hbm>> -> memref<32x128xf32, #tpu.memory_space<hbm>>
      tpu.enqueue_dma source(%dma_start3A_571 : memref<32x128xf32, #tpu.memory_space<hbm>>) target(%dma_start3A_569 : memref<32x128xf32, #tpu.memory_space<vmem>>) target_semaphore(%arg12 : memref<!tpu.dma_semaphore, #tpu.memory_space<semaphore_mem>>)
      %dma_start3A_572 = arith.constant 5 : i32
      %dma_start3A_573 = arith.constant 0 : i32
      %dma_start3A_574 = arith.constant 0 : i32
      %dma_start3A_575 = tpu.memref_slice %arg10[%dma_start3A_572, %dma_start3A_573, %dma_start3A_574] : memref<8x32x128xf32, #tpu.memory_space<vmem>> -> memref<1x32x128xf32, #tpu.memory_space<vmem>>
      %dma_start3A_576 = tpu.memref_squeeze %dma_start3A_575 : memref<1x32x128xf32, #tpu.memory_space<vmem>> -> memref<32x128xf32, #tpu.memory_space<vmem>>
      %dma_start3A_577 = arith.constant 0 : i32
      %dma_start3A_578 = tpu.memref_slice %arg5[%dma_start3A_577, %multiple_of3A_558] : memref<32x1000000xf32, #tpu.memory_space<hbm>> -> memref<32x128xf32, #tpu.memory_space<hbm>>
      %dma_start3A_579 = arith.constant 0 : i32
      %dma_start3A_580 = arith.constant 0 : i32
      %dma_start3A_581 = tpu.memref_slice %arg10[%dma_start3A_572, %dma_start3A_579, %dma_start3A_580] : memref<8x32x128xf32, #tpu.memory_space<vmem>> -> memref<1x32x128xf32, #tpu.memory_space<vmem>>
      %dma_start3A_582 = tpu.memref_squeeze %dma_start3A_581 : memref<1x32x128xf32, #tpu.memory_space<vmem>> -> memref<32x128xf32, #tpu.memory_space<vmem>>
      %dma_start3A_583 = arith.constant 0 : i32
      %dma_start3A_584 = tpu.memref_slice %arg5[%dma_start3A_583, %multiple_of3A_558] : memref<32x1000000xf32, #tpu.memory_space<hbm>> -> memref<32x128xf32, #tpu.memory_space<hbm>>
      tpu.enqueue_dma source(%dma_start3A_584 : memref<32x128xf32, #tpu.memory_space<hbm>>) target(%dma_start3A_582 : memref<32x128xf32, #tpu.memory_space<vmem>>) target_semaphore(%arg12 : memref<!tpu.dma_semaphore, #tpu.memory_space<semaphore_mem>>)
      %slice3A_585 = vector.extract_strided_slice %get3A_82 {offsets = [6], sizes = [1], strides = [1]} : vector<16xi32> to vector<1xi32>
      %squeeze3A_586 = vector.extract %slice3A_585[0] : i32 from vector<1xi32>
      %jit3A_587 = arith.constant 128 : i32
      %div3A_588 = arith.divsi %squeeze3A_586, %jit3A_587 : i32
      %sign3A_589 = arith.constant 0 : i32
      %sign3A_590 = arith.cmpi sgt, %squeeze3A_586, %sign3A_589 : i32
      %sign3A_591 = arith.extui %sign3A_590 : i1 to i32
      %sign3A_592 = arith.constant 0 : i32
      %sign3A_593 = arith.cmpi slt, %squeeze3A_586, %sign3A_592 : i32
      %sign3A_594 = arith.extui %sign3A_593 : i1 to i32
      %sign3A_595 = arith.subi %sign3A_591, %sign3A_594 : i32
      %sign3A_596 = arith.constant 0 : i32
      %sign3A_597 = arith.cmpi sgt, %jit3A_587, %sign3A_596 : i32
      %sign3A_598 = arith.extui %sign3A_597 : i1 to i32
      %sign3A_599 = arith.constant 0 : i32
      %sign3A_600 = arith.cmpi slt, %jit3A_587, %sign3A_599 : i32
      %sign3A_601 = arith.extui %sign3A_600 : i1 to i32
      %sign3A_602 = arith.subi %sign3A_598, %sign3A_601 : i32
      %ne3A_603 = arith.cmpi ne, %sign3A_595, %sign3A_602 : i32
      %rem3A_604 = arith.remsi %squeeze3A_586, %jit3A_587 : i32
      %ne3A_605 = arith.constant 0 : i32
      %ne3A_606 = arith.cmpi ne, %rem3A_604, %ne3A_605 : i32
      %and3A_607 = arith.andi %ne3A_603, %ne3A_606 : i1
      %sub3A_608 = arith.constant 1 : i32
      %sub3A_609 = arith.subi %div3A_588, %sub3A_608 : i32
      %select_n3A_610 = arith.select %and3A_607, %sub3A_609, %div3A_588 : i32
      %mul3A_611 = arith.constant 128 : i32
      %mul3A_612 = arith.muli %select_n3A_610, %mul3A_611 : i32
      %multiple_of3A_613 = tpu.assume_multiple %mul3A_612, 128 : i32
      %slice3A_614 = vector.extract_strided_slice %get3A_84 {offsets = [6], sizes = [1], strides = [1]} : vector<16xi32> to vector<1xi32>
      %squeeze3A_615 = vector.extract %slice3A_614[0] : i32 from vector<1xi32>
      %jit3A_616 = arith.constant 128 : i32
      %div3A_617 = arith.divsi %squeeze3A_615, %jit3A_616 : i32
      %sign3A_618 = arith.constant 0 : i32
      %sign3A_619 = arith.cmpi sgt, %squeeze3A_615, %sign3A_618 : i32
      %sign3A_620 = arith.extui %sign3A_619 : i1 to i32
      %sign3A_621 = arith.constant 0 : i32
      %sign3A_622 = arith.cmpi slt, %squeeze3A_615, %sign3A_621 : i32
      %sign3A_623 = arith.extui %sign3A_622 : i1 to i32
      %sign3A_624 = arith.subi %sign3A_620, %sign3A_623 : i32
      %sign3A_625 = arith.constant 0 : i32
      %sign3A_626 = arith.cmpi sgt, %jit3A_616, %sign3A_625 : i32
      %sign3A_627 = arith.extui %sign3A_626 : i1 to i32
      %sign3A_628 = arith.constant 0 : i32
      %sign3A_629 = arith.cmpi slt, %jit3A_616, %sign3A_628 : i32
      %sign3A_630 = arith.extui %sign3A_629 : i1 to i32
      %sign3A_631 = arith.subi %sign3A_627, %sign3A_630 : i32
      %ne3A_632 = arith.cmpi ne, %sign3A_624, %sign3A_631 : i32
      %rem3A_633 = arith.remsi %squeeze3A_615, %jit3A_616 : i32
      %ne3A_634 = arith.constant 0 : i32
      %ne3A_635 = arith.cmpi ne, %rem3A_633, %ne3A_634 : i32
      %and3A_636 = arith.andi %ne3A_632, %ne3A_635 : i1
      %sub3A_637 = arith.constant 1 : i32
      %sub3A_638 = arith.subi %div3A_617, %sub3A_637 : i32
      %select_n3A_639 = arith.select %and3A_636, %sub3A_638, %div3A_617 : i32
      %mul3A_640 = arith.constant 128 : i32
      %mul3A_641 = arith.muli %select_n3A_639, %mul3A_640 : i32
      %multiple_of3A_642 = tpu.assume_multiple %mul3A_641, 128 : i32
      %dma_start3A_643 = arith.constant 6 : i32
      %dma_start3A_644 = arith.constant 0 : i32
      %dma_start3A_645 = arith.constant 0 : i32
      %dma_start3A_646 = tpu.memref_slice %arg9[%dma_start3A_643, %dma_start3A_644, %dma_start3A_645] : memref<8x32x128xf32, #tpu.memory_space<vmem>> -> memref<1x32x128xf32, #tpu.memory_space<vmem>>
      %dma_start3A_647 = tpu.memref_squeeze %dma_start3A_646 : memref<1x32x128xf32, #tpu.memory_space<vmem>> -> memref<32x128xf32, #tpu.memory_space<vmem>>
      %dma_start3A_648 = arith.constant 0 : i32
      %dma_start3A_649 = tpu.memref_slice %arg4[%dma_start3A_648, %multiple_of3A_613] : memref<32x1000000xf32, #tpu.memory_space<hbm>> -> memref<32x128xf32, #tpu.memory_space<hbm>>
      %dma_start3A_650 = arith.constant 0 : i32
      %dma_start3A_651 = arith.constant 0 : i32
      %dma_start3A_652 = tpu.memref_slice %arg9[%dma_start3A_643, %dma_start3A_650, %dma_start3A_651] : memref<8x32x128xf32, #tpu.memory_space<vmem>> -> memref<1x32x128xf32, #tpu.memory_space<vmem>>
      %dma_start3A_653 = tpu.memref_squeeze %dma_start3A_652 : memref<1x32x128xf32, #tpu.memory_space<vmem>> -> memref<32x128xf32, #tpu.memory_space<vmem>>
      %dma_start3A_654 = arith.constant 0 : i32
      %dma_start3A_655 = tpu.memref_slice %arg4[%dma_start3A_654, %multiple_of3A_613] : memref<32x1000000xf32, #tpu.memory_space<hbm>> -> memref<32x128xf32, #tpu.memory_space<hbm>>
      tpu.enqueue_dma source(%dma_start3A_655 : memref<32x128xf32, #tpu.memory_space<hbm>>) target(%dma_start3A_653 : memref<32x128xf32, #tpu.memory_space<vmem>>) target_semaphore(%arg12 : memref<!tpu.dma_semaphore, #tpu.memory_space<semaphore_mem>>)
      %dma_start3A_656 = arith.constant 6 : i32
      %dma_start3A_657 = arith.constant 0 : i32
      %dma_start3A_658 = arith.constant 0 : i32
      %dma_start3A_659 = tpu.memref_slice %arg10[%dma_start3A_656, %dma_start3A_657, %dma_start3A_658] : memref<8x32x128xf32, #tpu.memory_space<vmem>> -> memref<1x32x128xf32, #tpu.memory_space<vmem>>
      %dma_start3A_660 = tpu.memref_squeeze %dma_start3A_659 : memref<1x32x128xf32, #tpu.memory_space<vmem>> -> memref<32x128xf32, #tpu.memory_space<vmem>>
      %dma_start3A_661 = arith.constant 0 : i32
      %dma_start3A_662 = tpu.memref_slice %arg5[%dma_start3A_661, %multiple_of3A_642] : memref<32x1000000xf32, #tpu.memory_space<hbm>> -> memref<32x128xf32, #tpu.memory_space<hbm>>
      %dma_start3A_663 = arith.constant 0 : i32
      %dma_start3A_664 = arith.constant 0 : i32
      %dma_start3A_665 = tpu.memref_slice %arg10[%dma_start3A_656, %dma_start3A_663, %dma_start3A_664] : memref<8x32x128xf32, #tpu.memory_space<vmem>> -> memref<1x32x128xf32, #tpu.memory_space<vmem>>
      %dma_start3A_666 = tpu.memref_squeeze %dma_start3A_665 : memref<1x32x128xf32, #tpu.memory_space<vmem>> -> memref<32x128xf32, #tpu.memory_space<vmem>>
      %dma_start3A_667 = arith.constant 0 : i32
      %dma_start3A_668 = tpu.memref_slice %arg5[%dma_start3A_667, %multiple_of3A_642] : memref<32x1000000xf32, #tpu.memory_space<hbm>> -> memref<32x128xf32, #tpu.memory_space<hbm>>
      tpu.enqueue_dma source(%dma_start3A_668 : memref<32x128xf32, #tpu.memory_space<hbm>>) target(%dma_start3A_666 : memref<32x128xf32, #tpu.memory_space<vmem>>) target_semaphore(%arg12 : memref<!tpu.dma_semaphore, #tpu.memory_space<semaphore_mem>>)
      %slice3A_669 = vector.extract_strided_slice %get3A_82 {offsets = [7], sizes = [1], strides = [1]} : vector<16xi32> to vector<1xi32>
      %squeeze3A_670 = vector.extract %slice3A_669[0] : i32 from vector<1xi32>
      %jit3A_671 = arith.constant 128 : i32
      %div3A_672 = arith.divsi %squeeze3A_670, %jit3A_671 : i32
      %sign3A_673 = arith.constant 0 : i32
      %sign3A_674 = arith.cmpi sgt, %squeeze3A_670, %sign3A_673 : i32
      %sign3A_675 = arith.extui %sign3A_674 : i1 to i32
      %sign3A_676 = arith.constant 0 : i32
      %sign3A_677 = arith.cmpi slt, %squeeze3A_670, %sign3A_676 : i32
      %sign3A_678 = arith.extui %sign3A_677 : i1 to i32
      %sign3A_679 = arith.subi %sign3A_675, %sign3A_678 : i32
      %sign3A_680 = arith.constant 0 : i32
      %sign3A_681 = arith.cmpi sgt, %jit3A_671, %sign3A_680 : i32
      %sign3A_682 = arith.extui %sign3A_681 : i1 to i32
      %sign3A_683 = arith.constant 0 : i32
      %sign3A_684 = arith.cmpi slt, %jit3A_671, %sign3A_683 : i32
      %sign3A_685 = arith.extui %sign3A_684 : i1 to i32
      %sign3A_686 = arith.subi %sign3A_682, %sign3A_685 : i32
      %ne3A_687 = arith.cmpi ne, %sign3A_679, %sign3A_686 : i32
      %rem3A_688 = arith.remsi %squeeze3A_670, %jit3A_671 : i32
      %ne3A_689 = arith.constant 0 : i32
      %ne3A_690 = arith.cmpi ne, %rem3A_688, %ne3A_689 : i32
      %and3A_691 = arith.andi %ne3A_687, %ne3A_690 : i1
      %sub3A_692 = arith.constant 1 : i32
      %sub3A_693 = arith.subi %div3A_672, %sub3A_692 : i32
      %select_n3A_694 = arith.select %and3A_691, %sub3A_693, %div3A_672 : i32
      %mul3A_695 = arith.constant 128 : i32
      %mul3A_696 = arith.muli %select_n3A_694, %mul3A_695 : i32
      %multiple_of3A_697 = tpu.assume_multiple %mul3A_696, 128 : i32
      %slice3A_698 = vector.extract_strided_slice %get3A_84 {offsets = [7], sizes = [1], strides = [1]} : vector<16xi32> to vector<1xi32>
      %squeeze3A_699 = vector.extract %slice3A_698[0] : i32 from vector<1xi32>
      %jit3A_700 = arith.constant 128 : i32
      %div3A_701 = arith.divsi %squeeze3A_699, %jit3A_700 : i32
      %sign3A_702 = arith.constant 0 : i32
      %sign3A_703 = arith.cmpi sgt, %squeeze3A_699, %sign3A_702 : i32
      %sign3A_704 = arith.extui %sign3A_703 : i1 to i32
      %sign3A_705 = arith.constant 0 : i32
      %sign3A_706 = arith.cmpi slt, %squeeze3A_699, %sign3A_705 : i32
      %sign3A_707 = arith.extui %sign3A_706 : i1 to i32
      %sign3A_708 = arith.subi %sign3A_704, %sign3A_707 : i32
      %sign3A_709 = arith.constant 0 : i32
      %sign3A_710 = arith.cmpi sgt, %jit3A_700, %sign3A_709 : i32
      %sign3A_711 = arith.extui %sign3A_710 : i1 to i32
      %sign3A_712 = arith.constant 0 : i32
      %sign3A_713 = arith.cmpi slt, %jit3A_700, %sign3A_712 : i32
      %sign3A_714 = arith.extui %sign3A_713 : i1 to i32
      %sign3A_715 = arith.subi %sign3A_711, %sign3A_714 : i32
      %ne3A_716 = arith.cmpi ne, %sign3A_708, %sign3A_715 : i32
      %rem3A_717 = arith.remsi %squeeze3A_699, %jit3A_700 : i32
      %ne3A_718 = arith.constant 0 : i32
      %ne3A_719 = arith.cmpi ne, %rem3A_717, %ne3A_718 : i32
      %and3A_720 = arith.andi %ne3A_716, %ne3A_719 : i1
      %sub3A_721 = arith.constant 1 : i32
      %sub3A_722 = arith.subi %div3A_701, %sub3A_721 : i32
      %select_n3A_723 = arith.select %and3A_720, %sub3A_722, %div3A_701 : i32
      %mul3A_724 = arith.constant 128 : i32
      %mul3A_725 = arith.muli %select_n3A_723, %mul3A_724 : i32
      %multiple_of3A_726 = tpu.assume_multiple %mul3A_725, 128 : i32
      %dma_start3A_727 = arith.constant 7 : i32
      %dma_start3A_728 = arith.constant 0 : i32
      %dma_start3A_729 = arith.constant 0 : i32
      %dma_start3A_730 = tpu.memref_slice %arg9[%dma_start3A_727, %dma_start3A_728, %dma_start3A_729] : memref<8x32x128xf32, #tpu.memory_space<vmem>> -> memref<1x32x128xf32, #tpu.memory_space<vmem>>
      %dma_start3A_731 = tpu.memref_squeeze %dma_start3A_730 : memref<1x32x128xf32, #tpu.memory_space<vmem>> -> memref<32x128xf32, #tpu.memory_space<vmem>>
      %dma_start3A_732 = arith.constant 0 : i32
      %dma_start3A_733 = tpu.memref_slice %arg4[%dma_start3A_732, %multiple_of3A_697] : memref<32x1000000xf32, #tpu.memory_space<hbm>> -> memref<32x128xf32, #tpu.memory_space<hbm>>
      %dma_start3A_734 = arith.constant 0 : i32
      %dma_start3A_735 = arith.constant 0 : i32
      %dma_start3A_736 = tpu.memref_slice %arg9[%dma_start3A_727, %dma_start3A_734, %dma_start3A_735] : memref<8x32x128xf32, #tpu.memory_space<vmem>> -> memref<1x32x128xf32, #tpu.memory_space<vmem>>
      %dma_start3A_737 = tpu.memref_squeeze %dma_start3A_736 : memref<1x32x128xf32, #tpu.memory_space<vmem>> -> memref<32x128xf32, #tpu.memory_space<vmem>>
      %dma_start3A_738 = arith.constant 0 : i32
      %dma_start3A_739 = tpu.memref_slice %arg4[%dma_start3A_738, %multiple_of3A_697] : memref<32x1000000xf32, #tpu.memory_space<hbm>> -> memref<32x128xf32, #tpu.memory_space<hbm>>
      tpu.enqueue_dma source(%dma_start3A_739 : memref<32x128xf32, #tpu.memory_space<hbm>>) target(%dma_start3A_737 : memref<32x128xf32, #tpu.memory_space<vmem>>) target_semaphore(%arg12 : memref<!tpu.dma_semaphore, #tpu.memory_space<semaphore_mem>>)
      %dma_start3A_740 = arith.constant 7 : i32
      %dma_start3A_741 = arith.constant 0 : i32
      %dma_start3A_742 = arith.constant 0 : i32
      %dma_start3A_743 = tpu.memref_slice %arg10[%dma_start3A_740, %dma_start3A_741, %dma_start3A_742] : memref<8x32x128xf32, #tpu.memory_space<vmem>> -> memref<1x32x128xf32, #tpu.memory_space<vmem>>
      %dma_start3A_744 = tpu.memref_squeeze %dma_start3A_743 : memref<1x32x128xf32, #tpu.memory_space<vmem>> -> memref<32x128xf32, #tpu.memory_space<vmem>>
      %dma_start3A_745 = arith.constant 0 : i32
      %dma_start3A_746 = tpu.memref_slice %arg5[%dma_start3A_745, %multiple_of3A_726] : memref<32x1000000xf32, #tpu.memory_space<hbm>> -> memref<32x128xf32, #tpu.memory_space<hbm>>
      %dma_start3A_747 = arith.constant 0 : i32
      %dma_start3A_748 = arith.constant 0 : i32
      %dma_start3A_749 = tpu.memref_slice %arg10[%dma_start3A_740, %dma_start3A_747, %dma_start3A_748] : memref<8x32x128xf32, #tpu.memory_space<vmem>> -> memref<1x32x128xf32, #tpu.memory_space<vmem>>
      %dma_start3A_750 = tpu.memref_squeeze %dma_start3A_749 : memref<1x32x128xf32, #tpu.memory_space<vmem>> -> memref<32x128xf32, #tpu.memory_space<vmem>>
      %dma_start3A_751 = arith.constant 0 : i32
      %dma_start3A_752 = tpu.memref_slice %arg5[%dma_start3A_751, %multiple_of3A_726] : memref<32x1000000xf32, #tpu.memory_space<hbm>> -> memref<32x128xf32, #tpu.memory_space<hbm>>
      tpu.enqueue_dma source(%dma_start3A_752 : memref<32x128xf32, #tpu.memory_space<hbm>>) target(%dma_start3A_750 : memref<32x128xf32, #tpu.memory_space<vmem>>) target_semaphore(%arg12 : memref<!tpu.dma_semaphore, #tpu.memory_space<semaphore_mem>>)
      %dma_wait3A = arith.constant 0 : i32
      %dma_wait3A_753 = arith.constant 0 : i32
      %dma_wait3A_754 = arith.constant 0 : i32
      %dma_wait3A_755 = tpu.memref_slice %arg9[%dma_wait3A, %dma_wait3A_753, %dma_wait3A_754] : memref<8x32x128xf32, #tpu.memory_space<vmem>> -> memref<1x32x128xf32, #tpu.memory_space<vmem>>
      %dma_wait3A_756 = tpu.memref_squeeze %dma_wait3A_755 : memref<1x32x128xf32, #tpu.memory_space<vmem>> -> memref<32x128xf32, #tpu.memory_space<vmem>>
      %dma_wait3A_757 = arith.constant 0 : i32
      %dma_wait3A_758 = tpu.memref_slice %arg4[%dma_wait3A_757, %multiple_of3A] : memref<32x1000000xf32, #tpu.memory_space<hbm>> -> memref<32x128xf32, #tpu.memory_space<hbm>>
      %dma_wait3A_759 = arith.constant 0 : i32
      %dma_wait3A_760 = arith.constant 0 : i32
      %dma_wait3A_761 = tpu.memref_slice %arg9[%dma_wait3A, %dma_wait3A_759, %dma_wait3A_760] : memref<8x32x128xf32, #tpu.memory_space<vmem>> -> memref<1x32x128xf32, #tpu.memory_space<vmem>>
      %dma_wait3A_762 = tpu.memref_squeeze %dma_wait3A_761 : memref<1x32x128xf32, #tpu.memory_space<vmem>> -> memref<32x128xf32, #tpu.memory_space<vmem>>
      %dma_wait3A_763 = arith.constant 0 : i32
      %dma_wait3A_764 = tpu.memref_slice %arg4[%dma_wait3A_763, %multiple_of3A] : memref<32x1000000xf32, #tpu.memory_space<hbm>> -> memref<32x128xf32, #tpu.memory_space<hbm>>
      tpu.wait_dma2 semaphore(%arg12 : memref<!tpu.dma_semaphore, #tpu.memory_space<semaphore_mem>>) src(%dma_wait3A_764 : memref<32x128xf32, #tpu.memory_space<hbm>>) dst(%dma_wait3A_762 : memref<32x128xf32, #tpu.memory_space<vmem>>)
      %dma_wait3A_765 = arith.constant 0 : i32
      %dma_wait3A_766 = arith.constant 0 : i32
      %dma_wait3A_767 = arith.constant 0 : i32
      %dma_wait3A_768 = tpu.memref_slice %arg10[%dma_wait3A_765, %dma_wait3A_766, %dma_wait3A_767] : memref<8x32x128xf32, #tpu.memory_space<vmem>> -> memref<1x32x128xf32, #tpu.memory_space<vmem>>
      %dma_wait3A_769 = tpu.memref_squeeze %dma_wait3A_768 : memref<1x32x128xf32, #tpu.memory_space<vmem>> -> memref<32x128xf32, #tpu.memory_space<vmem>>
      %dma_wait3A_770 = arith.constant 0 : i32
      %dma_wait3A_771 = tpu.memref_slice %arg5[%dma_wait3A_770, %multiple_of3A_139] : memref<32x1000000xf32, #tpu.memory_space<hbm>> -> memref<32x128xf32, #tpu.memory_space<hbm>>
      %dma_wait3A_772 = arith.constant 0 : i32
      %dma_wait3A_773 = arith.constant 0 : i32
      %dma_wait3A_774 = tpu.memref_slice %arg10[%dma_wait3A_765, %dma_wait3A_772, %dma_wait3A_773] : memref<8x32x128xf32, #tpu.memory_space<vmem>> -> memref<1x32x128xf32, #tpu.memory_space<vmem>>
      %dma_wait3A_775 = tpu.memref_squeeze %dma_wait3A_774 : memref<1x32x128xf32, #tpu.memory_space<vmem>> -> memref<32x128xf32, #tpu.memory_space<vmem>>
      %dma_wait3A_776 = arith.constant 0 : i32
      %dma_wait3A_777 = tpu.memref_slice %arg5[%dma_wait3A_776, %multiple_of3A_139] : memref<32x1000000xf32, #tpu.memory_space<hbm>> -> memref<32x128xf32, #tpu.memory_space<hbm>>
      tpu.wait_dma2 semaphore(%arg12 : memref<!tpu.dma_semaphore, #tpu.memory_space<semaphore_mem>>) src(%dma_wait3A_777 : memref<32x128xf32, #tpu.memory_space<hbm>>) dst(%dma_wait3A_775 : memref<32x128xf32, #tpu.memory_space<vmem>>)
      %dma_wait3A_778 = arith.constant 1 : i32
      %dma_wait3A_779 = arith.constant 0 : i32
      %dma_wait3A_780 = arith.constant 0 : i32
      %dma_wait3A_781 = tpu.memref_slice %arg9[%dma_wait3A_778, %dma_wait3A_779, %dma_wait3A_780] : memref<8x32x128xf32, #tpu.memory_space<vmem>> -> memref<1x32x128xf32, #tpu.memory_space<vmem>>
      %dma_wait3A_782 = tpu.memref_squeeze %dma_wait3A_781 : memref<1x32x128xf32, #tpu.memory_space<vmem>> -> memref<32x128xf32, #tpu.memory_space<vmem>>
      %dma_wait3A_783 = arith.constant 0 : i32
      %dma_wait3A_784 = tpu.memref_slice %arg4[%dma_wait3A_783, %multiple_of3A_193] : memref<32x1000000xf32, #tpu.memory_space<hbm>> -> memref<32x128xf32, #tpu.memory_space<hbm>>
      %dma_wait3A_785 = arith.constant 0 : i32
      %dma_wait3A_786 = arith.constant 0 : i32
      %dma_wait3A_787 = tpu.memref_slice %arg9[%dma_wait3A_778, %dma_wait3A_785, %dma_wait3A_786] : memref<8x32x128xf32, #tpu.memory_space<vmem>> -> memref<1x32x128xf32, #tpu.memory_space<vmem>>
      %dma_wait3A_788 = tpu.memref_squeeze %dma_wait3A_787 : memref<1x32x128xf32, #tpu.memory_space<vmem>> -> memref<32x128xf32, #tpu.memory_space<vmem>>
      %dma_wait3A_789 = arith.constant 0 : i32
      %dma_wait3A_790 = tpu.memref_slice %arg4[%dma_wait3A_789, %multiple_of3A_193] : memref<32x1000000xf32, #tpu.memory_space<hbm>> -> memref<32x128xf32, #tpu.memory_space<hbm>>
      tpu.wait_dma2 semaphore(%arg12 : memref<!tpu.dma_semaphore, #tpu.memory_space<semaphore_mem>>) src(%dma_wait3A_790 : memref<32x128xf32, #tpu.memory_space<hbm>>) dst(%dma_wait3A_788 : memref<32x128xf32, #tpu.memory_space<vmem>>)
      %dma_wait3A_791 = arith.constant 1 : i32
      %dma_wait3A_792 = arith.constant 0 : i32
      %dma_wait3A_793 = arith.constant 0 : i32
      %dma_wait3A_794 = tpu.memref_slice %arg10[%dma_wait3A_791, %dma_wait3A_792, %dma_wait3A_793] : memref<8x32x128xf32, #tpu.memory_space<vmem>> -> memref<1x32x128xf32, #tpu.memory_space<vmem>>
      %dma_wait3A_795 = tpu.memref_squeeze %dma_wait3A_794 : memref<1x32x128xf32, #tpu.memory_space<vmem>> -> memref<32x128xf32, #tpu.memory_space<vmem>>
      %dma_wait3A_796 = arith.constant 0 : i32
      %dma_wait3A_797 = tpu.memref_slice %arg5[%dma_wait3A_796, %multiple_of3A_222] : memref<32x1000000xf32, #tpu.memory_space<hbm>> -> memref<32x128xf32, #tpu.memory_space<hbm>>
      %dma_wait3A_798 = arith.constant 0 : i32
      %dma_wait3A_799 = arith.constant 0 : i32
      %dma_wait3A_800 = tpu.memref_slice %arg10[%dma_wait3A_791, %dma_wait3A_798, %dma_wait3A_799] : memref<8x32x128xf32, #tpu.memory_space<vmem>> -> memref<1x32x128xf32, #tpu.memory_space<vmem>>
      %dma_wait3A_801 = tpu.memref_squeeze %dma_wait3A_800 : memref<1x32x128xf32, #tpu.memory_space<vmem>> -> memref<32x128xf32, #tpu.memory_space<vmem>>
      %dma_wait3A_802 = arith.constant 0 : i32
      %dma_wait3A_803 = tpu.memref_slice %arg5[%dma_wait3A_802, %multiple_of3A_222] : memref<32x1000000xf32, #tpu.memory_space<hbm>> -> memref<32x128xf32, #tpu.memory_space<hbm>>
      tpu.wait_dma2 semaphore(%arg12 : memref<!tpu.dma_semaphore, #tpu.memory_space<semaphore_mem>>) src(%dma_wait3A_803 : memref<32x128xf32, #tpu.memory_space<hbm>>) dst(%dma_wait3A_801 : memref<32x128xf32, #tpu.memory_space<vmem>>)
      %dma_wait3A_804 = arith.constant 2 : i32
      %dma_wait3A_805 = arith.constant 0 : i32
      %dma_wait3A_806 = arith.constant 0 : i32
      %dma_wait3A_807 = tpu.memref_slice %arg9[%dma_wait3A_804, %dma_wait3A_805, %dma_wait3A_806] : memref<8x32x128xf32, #tpu.memory_space<vmem>> -> memref<1x32x128xf32, #tpu.memory_space<vmem>>
      %dma_wait3A_808 = tpu.memref_squeeze %dma_wait3A_807 : memref<1x32x128xf32, #tpu.memory_space<vmem>> -> memref<32x128xf32, #tpu.memory_space<vmem>>
      %dma_wait3A_809 = arith.constant 0 : i32
      %dma_wait3A_810 = tpu.memref_slice %arg4[%dma_wait3A_809, %multiple_of3A_277] : memref<32x1000000xf32, #tpu.memory_space<hbm>> -> memref<32x128xf32, #tpu.memory_space<hbm>>
      %dma_wait3A_811 = arith.constant 0 : i32
      %dma_wait3A_812 = arith.constant 0 : i32
      %dma_wait3A_813 = tpu.memref_slice %arg9[%dma_wait3A_804, %dma_wait3A_811, %dma_wait3A_812] : memref<8x32x128xf32, #tpu.memory_space<vmem>> -> memref<1x32x128xf32, #tpu.memory_space<vmem>>
      %dma_wait3A_814 = tpu.memref_squeeze %dma_wait3A_813 : memref<1x32x128xf32, #tpu.memory_space<vmem>> -> memref<32x128xf32, #tpu.memory_space<vmem>>
      %dma_wait3A_815 = arith.constant 0 : i32
      %dma_wait3A_816 = tpu.memref_slice %arg4[%dma_wait3A_815, %multiple_of3A_277] : memref<32x1000000xf32, #tpu.memory_space<hbm>> -> memref<32x128xf32, #tpu.memory_space<hbm>>
      tpu.wait_dma2 semaphore(%arg12 : memref<!tpu.dma_semaphore, #tpu.memory_space<semaphore_mem>>) src(%dma_wait3A_816 : memref<32x128xf32, #tpu.memory_space<hbm>>) dst(%dma_wait3A_814 : memref<32x128xf32, #tpu.memory_space<vmem>>)
      %dma_wait3A_817 = arith.constant 2 : i32
      %dma_wait3A_818 = arith.constant 0 : i32
      %dma_wait3A_819 = arith.constant 0 : i32
      %dma_wait3A_820 = tpu.memref_slice %arg10[%dma_wait3A_817, %dma_wait3A_818, %dma_wait3A_819] : memref<8x32x128xf32, #tpu.memory_space<vmem>> -> memref<1x32x128xf32, #tpu.memory_space<vmem>>
      %dma_wait3A_821 = tpu.memref_squeeze %dma_wait3A_820 : memref<1x32x128xf32, #tpu.memory_space<vmem>> -> memref<32x128xf32, #tpu.memory_space<vmem>>
      %dma_wait3A_822 = arith.constant 0 : i32
      %dma_wait3A_823 = tpu.memref_slice %arg5[%dma_wait3A_822, %multiple_of3A_306] : memref<32x1000000xf32, #tpu.memory_space<hbm>> -> memref<32x128xf32, #tpu.memory_space<hbm>>
      %dma_wait3A_824 = arith.constant 0 : i32
      %dma_wait3A_825 = arith.constant 0 : i32
      %dma_wait3A_826 = tpu.memref_slice %arg10[%dma_wait3A_817, %dma_wait3A_824, %dma_wait3A_825] : memref<8x32x128xf32, #tpu.memory_space<vmem>> -> memref<1x32x128xf32, #tpu.memory_space<vmem>>
      %dma_wait3A_827 = tpu.memref_squeeze %dma_wait3A_826 : memref<1x32x128xf32, #tpu.memory_space<vmem>> -> memref<32x128xf32, #tpu.memory_space<vmem>>
      %dma_wait3A_828 = arith.constant 0 : i32
      %dma_wait3A_829 = tpu.memref_slice %arg5[%dma_wait3A_828, %multiple_of3A_306] : memref<32x1000000xf32, #tpu.memory_space<hbm>> -> memref<32x128xf32, #tpu.memory_space<hbm>>
      tpu.wait_dma2 semaphore(%arg12 : memref<!tpu.dma_semaphore, #tpu.memory_space<semaphore_mem>>) src(%dma_wait3A_829 : memref<32x128xf32, #tpu.memory_space<hbm>>) dst(%dma_wait3A_827 : memref<32x128xf32, #tpu.memory_space<vmem>>)
      %dma_wait3A_830 = arith.constant 3 : i32
      %dma_wait3A_831 = arith.constant 0 : i32
      %dma_wait3A_832 = arith.constant 0 : i32
      %dma_wait3A_833 = tpu.memref_slice %arg9[%dma_wait3A_830, %dma_wait3A_831, %dma_wait3A_832] : memref<8x32x128xf32, #tpu.memory_space<vmem>> -> memref<1x32x128xf32, #tpu.memory_space<vmem>>
      %dma_wait3A_834 = tpu.memref_squeeze %dma_wait3A_833 : memref<1x32x128xf32, #tpu.memory_space<vmem>> -> memref<32x128xf32, #tpu.memory_space<vmem>>
      %dma_wait3A_835 = arith.constant 0 : i32
      %dma_wait3A_836 = tpu.memref_slice %arg4[%dma_wait3A_835, %multiple_of3A_361] : memref<32x1000000xf32, #tpu.memory_space<hbm>> -> memref<32x128xf32, #tpu.memory_space<hbm>>
      %dma_wait3A_837 = arith.constant 0 : i32
      %dma_wait3A_838 = arith.constant 0 : i32
      %dma_wait3A_839 = tpu.memref_slice %arg9[%dma_wait3A_830, %dma_wait3A_837, %dma_wait3A_838] : memref<8x32x128xf32, #tpu.memory_space<vmem>> -> memref<1x32x128xf32, #tpu.memory_space<vmem>>
      %dma_wait3A_840 = tpu.memref_squeeze %dma_wait3A_839 : memref<1x32x128xf32, #tpu.memory_space<vmem>> -> memref<32x128xf32, #tpu.memory_space<vmem>>
      %dma_wait3A_841 = arith.constant 0 : i32
      %dma_wait3A_842 = tpu.memref_slice %arg4[%dma_wait3A_841, %multiple_of3A_361] : memref<32x1000000xf32, #tpu.memory_space<hbm>> -> memref<32x128xf32, #tpu.memory_space<hbm>>
      tpu.wait_dma2 semaphore(%arg12 : memref<!tpu.dma_semaphore, #tpu.memory_space<semaphore_mem>>) src(%dma_wait3A_842 : memref<32x128xf32, #tpu.memory_space<hbm>>) dst(%dma_wait3A_840 : memref<32x128xf32, #tpu.memory_space<vmem>>)
      %dma_wait3A_843 = arith.constant 3 : i32
      %dma_wait3A_844 = arith.constant 0 : i32
      %dma_wait3A_845 = arith.constant 0 : i32
      %dma_wait3A_846 = tpu.memref_slice %arg10[%dma_wait3A_843, %dma_wait3A_844, %dma_wait3A_845] : memref<8x32x128xf32, #tpu.memory_space<vmem>> -> memref<1x32x128xf32, #tpu.memory_space<vmem>>
      %dma_wait3A_847 = tpu.memref_squeeze %dma_wait3A_846 : memref<1x32x128xf32, #tpu.memory_space<vmem>> -> memref<32x128xf32, #tpu.memory_space<vmem>>
      %dma_wait3A_848 = arith.constant 0 : i32
      %dma_wait3A_849 = tpu.memref_slice %arg5[%dma_wait3A_848, %multiple_of3A_390] : memref<32x1000000xf32, #tpu.memory_space<hbm>> -> memref<32x128xf32, #tpu.memory_space<hbm>>
      %dma_wait3A_850 = arith.constant 0 : i32
      %dma_wait3A_851 = arith.constant 0 : i32
      %dma_wait3A_852 = tpu.memref_slice %arg10[%dma_wait3A_843, %dma_wait3A_850, %dma_wait3A_851] : memref<8x32x128xf32, #tpu.memory_space<vmem>> -> memref<1x32x128xf32, #tpu.memory_space<vmem>>
      %dma_wait3A_853 = tpu.memref_squeeze %dma_wait3A_852 : memref<1x32x128xf32, #tpu.memory_space<vmem>> -> memref<32x128xf32, #tpu.memory_space<vmem>>
      %dma_wait3A_854 = arith.constant 0 : i32
      %dma_wait3A_855 = tpu.memref_slice %arg5[%dma_wait3A_854, %multiple_of3A_390] : memref<32x1000000xf32, #tpu.memory_space<hbm>> -> memref<32x128xf32, #tpu.memory_space<hbm>>
      tpu.wait_dma2 semaphore(%arg12 : memref<!tpu.dma_semaphore, #tpu.memory_space<semaphore_mem>>) src(%dma_wait3A_855 : memref<32x128xf32, #tpu.memory_space<hbm>>) dst(%dma_wait3A_853 : memref<32x128xf32, #tpu.memory_space<vmem>>)
      %dma_wait3A_856 = arith.constant 4 : i32
      %dma_wait3A_857 = arith.constant 0 : i32
      %dma_wait3A_858 = arith.constant 0 : i32
      %dma_wait3A_859 = tpu.memref_slice %arg9[%dma_wait3A_856, %dma_wait3A_857, %dma_wait3A_858] : memref<8x32x128xf32, #tpu.memory_space<vmem>> -> memref<1x32x128xf32, #tpu.memory_space<vmem>>
      %dma_wait3A_860 = tpu.memref_squeeze %dma_wait3A_859 : memref<1x32x128xf32, #tpu.memory_space<vmem>> -> memref<32x128xf32, #tpu.memory_space<vmem>>
      %dma_wait3A_861 = arith.constant 0 : i32
      %dma_wait3A_862 = tpu.memref_slice %arg4[%dma_wait3A_861, %multiple_of3A_445] : memref<32x1000000xf32, #tpu.memory_space<hbm>> -> memref<32x128xf32, #tpu.memory_space<hbm>>
      %dma_wait3A_863 = arith.constant 0 : i32
      %dma_wait3A_864 = arith.constant 0 : i32
      %dma_wait3A_865 = tpu.memref_slice %arg9[%dma_wait3A_856, %dma_wait3A_863, %dma_wait3A_864] : memref<8x32x128xf32, #tpu.memory_space<vmem>> -> memref<1x32x128xf32, #tpu.memory_space<vmem>>
      %dma_wait3A_866 = tpu.memref_squeeze %dma_wait3A_865 : memref<1x32x128xf32, #tpu.memory_space<vmem>> -> memref<32x128xf32, #tpu.memory_space<vmem>>
      %dma_wait3A_867 = arith.constant 0 : i32
      %dma_wait3A_868 = tpu.memref_slice %arg4[%dma_wait3A_867, %multiple_of3A_445] : memref<32x1000000xf32, #tpu.memory_space<hbm>> -> memref<32x128xf32, #tpu.memory_space<hbm>>
      tpu.wait_dma2 semaphore(%arg12 : memref<!tpu.dma_semaphore, #tpu.memory_space<semaphore_mem>>) src(%dma_wait3A_868 : memref<32x128xf32, #tpu.memory_space<hbm>>) dst(%dma_wait3A_866 : memref<32x128xf32, #tpu.memory_space<vmem>>)
      %dma_wait3A_869 = arith.constant 4 : i32
      %dma_wait3A_870 = arith.constant 0 : i32
      %dma_wait3A_871 = arith.constant 0 : i32
      %dma_wait3A_872 = tpu.memref_slice %arg10[%dma_wait3A_869, %dma_wait3A_870, %dma_wait3A_871] : memref<8x32x128xf32, #tpu.memory_space<vmem>> -> memref<1x32x128xf32, #tpu.memory_space<vmem>>
      %dma_wait3A_873 = tpu.memref_squeeze %dma_wait3A_872 : memref<1x32x128xf32, #tpu.memory_space<vmem>> -> memref<32x128xf32, #tpu.memory_space<vmem>>
      %dma_wait3A_874 = arith.constant 0 : i32
      %dma_wait3A_875 = tpu.memref_slice %arg5[%dma_wait3A_874, %multiple_of3A_474] : memref<32x1000000xf32, #tpu.memory_space<hbm>> -> memref<32x128xf32, #tpu.memory_space<hbm>>
      %dma_wait3A_876 = arith.constant 0 : i32
      %dma_wait3A_877 = arith.constant 0 : i32
      %dma_wait3A_878 = tpu.memref_slice %arg10[%dma_wait3A_869, %dma_wait3A_876, %dma_wait3A_877] : memref<8x32x128xf32, #tpu.memory_space<vmem>> -> memref<1x32x128xf32, #tpu.memory_space<vmem>>
      %dma_wait3A_879 = tpu.memref_squeeze %dma_wait3A_878 : memref<1x32x128xf32, #tpu.memory_space<vmem>> -> memref<32x128xf32, #tpu.memory_space<vmem>>
      %dma_wait3A_880 = arith.constant 0 : i32
      %dma_wait3A_881 = tpu.memref_slice %arg5[%dma_wait3A_880, %multiple_of3A_474] : memref<32x1000000xf32, #tpu.memory_space<hbm>> -> memref<32x128xf32, #tpu.memory_space<hbm>>
      tpu.wait_dma2 semaphore(%arg12 : memref<!tpu.dma_semaphore, #tpu.memory_space<semaphore_mem>>) src(%dma_wait3A_881 : memref<32x128xf32, #tpu.memory_space<hbm>>) dst(%dma_wait3A_879 : memref<32x128xf32, #tpu.memory_space<vmem>>)
      %dma_wait3A_882 = arith.constant 5 : i32
      %dma_wait3A_883 = arith.constant 0 : i32
      %dma_wait3A_884 = arith.constant 0 : i32
      %dma_wait3A_885 = tpu.memref_slice %arg9[%dma_wait3A_882, %dma_wait3A_883, %dma_wait3A_884] : memref<8x32x128xf32, #tpu.memory_space<vmem>> -> memref<1x32x128xf32, #tpu.memory_space<vmem>>
      %dma_wait3A_886 = tpu.memref_squeeze %dma_wait3A_885 : memref<1x32x128xf32, #tpu.memory_space<vmem>> -> memref<32x128xf32, #tpu.memory_space<vmem>>
      %dma_wait3A_887 = arith.constant 0 : i32
      %dma_wait3A_888 = tpu.memref_slice %arg4[%dma_wait3A_887, %multiple_of3A_529] : memref<32x1000000xf32, #tpu.memory_space<hbm>> -> memref<32x128xf32, #tpu.memory_space<hbm>>
      %dma_wait3A_889 = arith.constant 0 : i32
      %dma_wait3A_890 = arith.constant 0 : i32
      %dma_wait3A_891 = tpu.memref_slice %arg9[%dma_wait3A_882, %dma_wait3A_889, %dma_wait3A_890] : memref<8x32x128xf32, #tpu.memory_space<vmem>> -> memref<1x32x128xf32, #tpu.memory_space<vmem>>
      %dma_wait3A_892 = tpu.memref_squeeze %dma_wait3A_891 : memref<1x32x128xf32, #tpu.memory_space<vmem>> -> memref<32x128xf32, #tpu.memory_space<vmem>>
      %dma_wait3A_893 = arith.constant 0 : i32
      %dma_wait3A_894 = tpu.memref_slice %arg4[%dma_wait3A_893, %multiple_of3A_529] : memref<32x1000000xf32, #tpu.memory_space<hbm>> -> memref<32x128xf32, #tpu.memory_space<hbm>>
      tpu.wait_dma2 semaphore(%arg12 : memref<!tpu.dma_semaphore, #tpu.memory_space<semaphore_mem>>) src(%dma_wait3A_894 : memref<32x128xf32, #tpu.memory_space<hbm>>) dst(%dma_wait3A_892 : memref<32x128xf32, #tpu.memory_space<vmem>>)
      %dma_wait3A_895 = arith.constant 5 : i32
      %dma_wait3A_896 = arith.constant 0 : i32
      %dma_wait3A_897 = arith.constant 0 : i32
      %dma_wait3A_898 = tpu.memref_slice %arg10[%dma_wait3A_895, %dma_wait3A_896, %dma_wait3A_897] : memref<8x32x128xf32, #tpu.memory_space<vmem>> -> memref<1x32x128xf32, #tpu.memory_space<vmem>>
      %dma_wait3A_899 = tpu.memref_squeeze %dma_wait3A_898 : memref<1x32x128xf32, #tpu.memory_space<vmem>> -> memref<32x128xf32, #tpu.memory_space<vmem>>
      %dma_wait3A_900 = arith.constant 0 : i32
      %dma_wait3A_901 = tpu.memref_slice %arg5[%dma_wait3A_900, %multiple_of3A_558] : memref<32x1000000xf32, #tpu.memory_space<hbm>> -> memref<32x128xf32, #tpu.memory_space<hbm>>
      %dma_wait3A_902 = arith.constant 0 : i32
      %dma_wait3A_903 = arith.constant 0 : i32
      %dma_wait3A_904 = tpu.memref_slice %arg10[%dma_wait3A_895, %dma_wait3A_902, %dma_wait3A_903] : memref<8x32x128xf32, #tpu.memory_space<vmem>> -> memref<1x32x128xf32, #tpu.memory_space<vmem>>
      %dma_wait3A_905 = tpu.memref_squeeze %dma_wait3A_904 : memref<1x32x128xf32, #tpu.memory_space<vmem>> -> memref<32x128xf32, #tpu.memory_space<vmem>>
      %dma_wait3A_906 = arith.constant 0 : i32
      %dma_wait3A_907 = tpu.memref_slice %arg5[%dma_wait3A_906, %multiple_of3A_558] : memref<32x1000000xf32, #tpu.memory_space<hbm>> -> memref<32x128xf32, #tpu.memory_space<hbm>>
      tpu.wait_dma2 semaphore(%arg12 : memref<!tpu.dma_semaphore, #tpu.memory_space<semaphore_mem>>) src(%dma_wait3A_907 : memref<32x128xf32, #tpu.memory_space<hbm>>) dst(%dma_wait3A_905 : memref<32x128xf32, #tpu.memory_space<vmem>>)
      %dma_wait3A_908 = arith.constant 6 : i32
      %dma_wait3A_909 = arith.constant 0 : i32
      %dma_wait3A_910 = arith.constant 0 : i32
      %dma_wait3A_911 = tpu.memref_slice %arg9[%dma_wait3A_908, %dma_wait3A_909, %dma_wait3A_910] : memref<8x32x128xf32, #tpu.memory_space<vmem>> -> memref<1x32x128xf32, #tpu.memory_space<vmem>>
      %dma_wait3A_912 = tpu.memref_squeeze %dma_wait3A_911 : memref<1x32x128xf32, #tpu.memory_space<vmem>> -> memref<32x128xf32, #tpu.memory_space<vmem>>
      %dma_wait3A_913 = arith.constant 0 : i32
      %dma_wait3A_914 = tpu.memref_slice %arg4[%dma_wait3A_913, %multiple_of3A_613] : memref<32x1000000xf32, #tpu.memory_space<hbm>> -> memref<32x128xf32, #tpu.memory_space<hbm>>
      %dma_wait3A_915 = arith.constant 0 : i32
      %dma_wait3A_916 = arith.constant 0 : i32
      %dma_wait3A_917 = tpu.memref_slice %arg9[%dma_wait3A_908, %dma_wait3A_915, %dma_wait3A_916] : memref<8x32x128xf32, #tpu.memory_space<vmem>> -> memref<1x32x128xf32, #tpu.memory_space<vmem>>
      %dma_wait3A_918 = tpu.memref_squeeze %dma_wait3A_917 : memref<1x32x128xf32, #tpu.memory_space<vmem>> -> memref<32x128xf32, #tpu.memory_space<vmem>>
      %dma_wait3A_919 = arith.constant 0 : i32
      %dma_wait3A_920 = tpu.memref_slice %arg4[%dma_wait3A_919, %multiple_of3A_613] : memref<32x1000000xf32, #tpu.memory_space<hbm>> -> memref<32x128xf32, #tpu.memory_space<hbm>>
      tpu.wait_dma2 semaphore(%arg12 : memref<!tpu.dma_semaphore, #tpu.memory_space<semaphore_mem>>) src(%dma_wait3A_920 : memref<32x128xf32, #tpu.memory_space<hbm>>) dst(%dma_wait3A_918 : memref<32x128xf32, #tpu.memory_space<vmem>>)
      %dma_wait3A_921 = arith.constant 6 : i32
      %dma_wait3A_922 = arith.constant 0 : i32
      %dma_wait3A_923 = arith.constant 0 : i32
      %dma_wait3A_924 = tpu.memref_slice %arg10[%dma_wait3A_921, %dma_wait3A_922, %dma_wait3A_923] : memref<8x32x128xf32, #tpu.memory_space<vmem>> -> memref<1x32x128xf32, #tpu.memory_space<vmem>>
      %dma_wait3A_925 = tpu.memref_squeeze %dma_wait3A_924 : memref<1x32x128xf32, #tpu.memory_space<vmem>> -> memref<32x128xf32, #tpu.memory_space<vmem>>
      %dma_wait3A_926 = arith.constant 0 : i32
      %dma_wait3A_927 = tpu.memref_slice %arg5[%dma_wait3A_926, %multiple_of3A_642] : memref<32x1000000xf32, #tpu.memory_space<hbm>> -> memref<32x128xf32, #tpu.memory_space<hbm>>
      %dma_wait3A_928 = arith.constant 0 : i32
      %dma_wait3A_929 = arith.constant 0 : i32
      %dma_wait3A_930 = tpu.memref_slice %arg10[%dma_wait3A_921, %dma_wait3A_928, %dma_wait3A_929] : memref<8x32x128xf32, #tpu.memory_space<vmem>> -> memref<1x32x128xf32, #tpu.memory_space<vmem>>
      %dma_wait3A_931 = tpu.memref_squeeze %dma_wait3A_930 : memref<1x32x128xf32, #tpu.memory_space<vmem>> -> memref<32x128xf32, #tpu.memory_space<vmem>>
      %dma_wait3A_932 = arith.constant 0 : i32
      %dma_wait3A_933 = tpu.memref_slice %arg5[%dma_wait3A_932, %multiple_of3A_642] : memref<32x1000000xf32, #tpu.memory_space<hbm>> -> memref<32x128xf32, #tpu.memory_space<hbm>>
      tpu.wait_dma2 semaphore(%arg12 : memref<!tpu.dma_semaphore, #tpu.memory_space<semaphore_mem>>) src(%dma_wait3A_933 : memref<32x128xf32, #tpu.memory_space<hbm>>) dst(%dma_wait3A_931 : memref<32x128xf32, #tpu.memory_space<vmem>>)
      %dma_wait3A_934 = arith.constant 7 : i32
      %dma_wait3A_935 = arith.constant 0 : i32
      %dma_wait3A_936 = arith.constant 0 : i32
      %dma_wait3A_937 = tpu.memref_slice %arg9[%dma_wait3A_934, %dma_wait3A_935, %dma_wait3A_936] : memref<8x32x128xf32, #tpu.memory_space<vmem>> -> memref<1x32x128xf32, #tpu.memory_space<vmem>>
      %dma_wait3A_938 = tpu.memref_squeeze %dma_wait3A_937 : memref<1x32x128xf32, #tpu.memory_space<vmem>> -> memref<32x128xf32, #tpu.memory_space<vmem>>
      %dma_wait3A_939 = arith.constant 0 : i32
      %dma_wait3A_940 = tpu.memref_slice %arg4[%dma_wait3A_939, %multiple_of3A_697] : memref<32x1000000xf32, #tpu.memory_space<hbm>> -> memref<32x128xf32, #tpu.memory_space<hbm>>
      %dma_wait3A_941 = arith.constant 0 : i32
      %dma_wait3A_942 = arith.constant 0 : i32
      %dma_wait3A_943 = tpu.memref_slice %arg9[%dma_wait3A_934, %dma_wait3A_941, %dma_wait3A_942] : memref<8x32x128xf32, #tpu.memory_space<vmem>> -> memref<1x32x128xf32, #tpu.memory_space<vmem>>
      %dma_wait3A_944 = tpu.memref_squeeze %dma_wait3A_943 : memref<1x32x128xf32, #tpu.memory_space<vmem>> -> memref<32x128xf32, #tpu.memory_space<vmem>>
      %dma_wait3A_945 = arith.constant 0 : i32
      %dma_wait3A_946 = tpu.memref_slice %arg4[%dma_wait3A_945, %multiple_of3A_697] : memref<32x1000000xf32, #tpu.memory_space<hbm>> -> memref<32x128xf32, #tpu.memory_space<hbm>>
      tpu.wait_dma2 semaphore(%arg12 : memref<!tpu.dma_semaphore, #tpu.memory_space<semaphore_mem>>) src(%dma_wait3A_946 : memref<32x128xf32, #tpu.memory_space<hbm>>) dst(%dma_wait3A_944 : memref<32x128xf32, #tpu.memory_space<vmem>>)
      %dma_wait3A_947 = arith.constant 7 : i32
      %dma_wait3A_948 = arith.constant 0 : i32
      %dma_wait3A_949 = arith.constant 0 : i32
      %dma_wait3A_950 = tpu.memref_slice %arg10[%dma_wait3A_947, %dma_wait3A_948, %dma_wait3A_949] : memref<8x32x128xf32, #tpu.memory_space<vmem>> -> memref<1x32x128xf32, #tpu.memory_space<vmem>>
      %dma_wait3A_951 = tpu.memref_squeeze %dma_wait3A_950 : memref<1x32x128xf32, #tpu.memory_space<vmem>> -> memref<32x128xf32, #tpu.memory_space<vmem>>
      %dma_wait3A_952 = arith.constant 0 : i32
      %dma_wait3A_953 = tpu.memref_slice %arg5[%dma_wait3A_952, %multiple_of3A_726] : memref<32x1000000xf32, #tpu.memory_space<hbm>> -> memref<32x128xf32, #tpu.memory_space<hbm>>
      %dma_wait3A_954 = arith.constant 0 : i32
      %dma_wait3A_955 = arith.constant 0 : i32
      %dma_wait3A_956 = tpu.memref_slice %arg10[%dma_wait3A_947, %dma_wait3A_954, %dma_wait3A_955] : memref<8x32x128xf32, #tpu.memory_space<vmem>> -> memref<1x32x128xf32, #tpu.memory_space<vmem>>
      %dma_wait3A_957 = tpu.memref_squeeze %dma_wait3A_956 : memref<1x32x128xf32, #tpu.memory_space<vmem>> -> memref<32x128xf32, #tpu.memory_space<vmem>>
      %dma_wait3A_958 = arith.constant 0 : i32
      %dma_wait3A_959 = tpu.memref_slice %arg5[%dma_wait3A_958, %multiple_of3A_726] : memref<32x1000000xf32, #tpu.memory_space<hbm>> -> memref<32x128xf32, #tpu.memory_space<hbm>>
      tpu.wait_dma2 semaphore(%arg12 : memref<!tpu.dma_semaphore, #tpu.memory_space<semaphore_mem>>) src(%dma_wait3A_959 : memref<32x128xf32, #tpu.memory_space<hbm>>) dst(%dma_wait3A_957 : memref<32x128xf32, #tpu.memory_space<vmem>>)
      %jit3A_960 = arith.constant 128 : i32
      %eq3A_961 = arith.constant 0 : i32
      %eq3A_962 = arith.cmpi eq, %jit3A_960, %eq3A_961 : i32
      %jit3A_963 = arith.constant 1 : i32
      %select_n3A_964 = arith.select %eq3A_962, %jit3A_963, %jit3A_960 : i32
      %rem3A_965 = vector.broadcast %select_n3A_964 : i32 to vector<16xi32>
      %rem3A_966 = arith.remsi %get3A_82, %rem3A_965 : vector<16xi32>
      %ne3A_967 = arith.constant 0 : i32
      %ne3A_968 = vector.broadcast %ne3A_967 : i32 to vector<16xi32>
      %ne3A_969 = arith.cmpi ne, %rem3A_966, %ne3A_968 : vector<16xi32>
      %lt3A_970 = arith.constant 0 : i32
      %lt3A_971 = vector.broadcast %lt3A_970 : i32 to vector<16xi32>
      %lt3A_972 = arith.cmpi slt, %rem3A_966, %lt3A_971 : vector<16xi32>
      %lt3A_973 = arith.constant 0 : i32
      %lt3A_974 = arith.cmpi slt, %select_n3A_964, %lt3A_973 : i32
      %ne3A_975 = vector.broadcast %lt3A_974 : i1 to vector<16xi1>
      %ne3A_976 = vector.broadcast %ne3A_975 : vector<16xi1> to vector<16xi1>
      %ne3A_977 = arith.xori %lt3A_972, %ne3A_976 : vector<16xi1>
      %and3A_978 = arith.andi %ne3A_977, %ne3A_969 : vector<16xi1>
      %add3A_979 = vector.broadcast %select_n3A_964 : i32 to vector<16xi32>
      %add3A_980 = arith.addi %rem3A_966, %add3A_979 : vector<16xi32>
      %select_n3A_981 = arith.select %and3A_978, %add3A_980, %rem3A_966 : vector<16xi1>, vector<16xi32>
      %lt3A_982 = arith.constant 0 : i32
      %lt3A_983 = vector.broadcast %lt3A_982 : i32 to vector<16xi32>
      %lt3A_984 = arith.cmpi slt, %select_n3A_17, %lt3A_983 : vector<16xi32>
      %add3A_985 = arith.constant 16 : i32
      %add3A_986 = vector.broadcast %add3A_985 : i32 to vector<16xi32>
      %add3A_987 = arith.addi %select_n3A_17, %add3A_986 : vector<16xi32>
      %select_n3A_988 = arith.select %lt3A_984, %add3A_987, %select_n3A_17 : vector<16xi1>, vector<16xi32>
      %broadcast_in_dim3A = vector.shape_cast %select_n3A_988 : vector<16xi32> to vector<16x1xi32>
      %gather3A = vector.shape_cast %broadcast_in_dim3A : vector<16x1xi32> to vector<16xi32>
      %gather3A_989 = tpu.dynamic_gather %select_n3A_981[%gather3A] in [0] : vector<16xi32>, vector<16xi32> -> vector<16xi32>
      %jit3A_990 = arith.constant 128 : i32
      %eq3A_991 = arith.constant 0 : i32
      %eq3A_992 = arith.cmpi eq, %jit3A_990, %eq3A_991 : i32
      %jit3A_993 = arith.constant 1 : i32
      %select_n3A_994 = arith.select %eq3A_992, %jit3A_993, %jit3A_990 : i32
      %rem3A_995 = vector.broadcast %select_n3A_994 : i32 to vector<16xi32>
      %rem3A_996 = arith.remsi %get3A_84, %rem3A_995 : vector<16xi32>
      %ne3A_997 = arith.constant 0 : i32
      %ne3A_998 = vector.broadcast %ne3A_997 : i32 to vector<16xi32>
      %ne3A_999 = arith.cmpi ne, %rem3A_996, %ne3A_998 : vector<16xi32>
      %lt3A_1000 = arith.constant 0 : i32
      %lt3A_1001 = vector.broadcast %lt3A_1000 : i32 to vector<16xi32>
      %lt3A_1002 = arith.cmpi slt, %rem3A_996, %lt3A_1001 : vector<16xi32>
      %lt3A_1003 = arith.constant 0 : i32
      %lt3A_1004 = arith.cmpi slt, %select_n3A_994, %lt3A_1003 : i32
      %ne3A_1005 = vector.broadcast %lt3A_1004 : i1 to vector<16xi1>
      %ne3A_1006 = vector.broadcast %ne3A_1005 : vector<16xi1> to vector<16xi1>
      %ne3A_1007 = arith.xori %lt3A_1002, %ne3A_1006 : vector<16xi1>
      %and3A_1008 = arith.andi %ne3A_1007, %ne3A_999 : vector<16xi1>
      %add3A_1009 = vector.broadcast %select_n3A_994 : i32 to vector<16xi32>
      %add3A_1010 = arith.addi %rem3A_996, %add3A_1009 : vector<16xi32>
      %select_n3A_1011 = arith.select %and3A_1008, %add3A_1010, %rem3A_996 : vector<16xi1>, vector<16xi32>
      %lt3A_1012 = arith.constant 0 : i32
      %lt3A_1013 = vector.broadcast %lt3A_1012 : i32 to vector<16xi32>
      %lt3A_1014 = arith.cmpi slt, %select_n3A_17, %lt3A_1013 : vector<16xi32>
      %add3A_1015 = arith.constant 16 : i32
      %add3A_1016 = vector.broadcast %add3A_1015 : i32 to vector<16xi32>
      %add3A_1017 = arith.addi %select_n3A_17, %add3A_1016 : vector<16xi32>
      %select_n3A_1018 = arith.select %lt3A_1014, %add3A_1017, %select_n3A_17 : vector<16xi1>, vector<16xi32>
      %broadcast_in_dim3A_1019 = vector.shape_cast %select_n3A_1018 : vector<16xi32> to vector<16x1xi32>
      %gather3A_1020 = vector.shape_cast %broadcast_in_dim3A_1019 : vector<16x1xi32> to vector<16xi32>
      %gather3A_1021 = tpu.dynamic_gather %select_n3A_1011[%gather3A_1020] in [0] : vector<16xi32>, vector<16xi32> -> vector<16xi32>
      %broadcast_in_dim3A_1022 = arith.constant 0.000000e+00 : f32
      %broadcast_in_dim3A_1023 = vector.broadcast %broadcast_in_dim3A_1022 : f32 to vector<16xf32>
      %add3A_1024 = arith.constant 0 : i32
      %add3A_1025 = vector.broadcast %add3A_1024 : i32 to vector<16xi32>
      %add3A_1026 = arith.addi %mul3A_48, %add3A_1025 : vector<16xi32>
      %gather3A_1027 = tpu.vector_load_idx %arg9[%select_n3A_17, %add3A_1026, %gather3A_989] : memref<8x32x128xf32, #tpu.memory_space<vmem>>[vector<16xi32>, vector<16xi32>, vector<16xi32>], vector<16xf32>,
      %gather3A_1028 = tpu.vector_load_idx %arg10[%select_n3A_17, %add3A_1026, %gather3A_1021] : memref<8x32x128xf32, #tpu.memory_space<vmem>>[vector<16xi32>, vector<16xi32>, vector<16xi32>], vector<16xf32>,
      %mul3A_1029 = arith.mulf %gather3A_1027, %gather3A_1028 : vector<16xf32>
      %add3A_1030 = arith.addf %broadcast_in_dim3A_1023, %mul3A_1029 : vector<16xf32>
      %add3A_1031 = arith.constant 1 : i32
      %add3A_1032 = vector.broadcast %add3A_1031 : i32 to vector<16xi32>
      %add3A_1033 = arith.addi %mul3A_48, %add3A_1032 : vector<16xi32>
      %gather3A_1034 = tpu.vector_load_idx %arg9[%select_n3A_17, %add3A_1033, %gather3A_989] : memref<8x32x128xf32, #tpu.memory_space<vmem>>[vector<16xi32>, vector<16xi32>, vector<16xi32>], vector<16xf32>,
      %gather3A_1035 = tpu.vector_load_idx %arg10[%select_n3A_17, %add3A_1033, %gather3A_1021] : memref<8x32x128xf32, #tpu.memory_space<vmem>>[vector<16xi32>, vector<16xi32>, vector<16xi32>], vector<16xf32>,
      %mul3A_1036 = arith.mulf %gather3A_1034, %gather3A_1035 : vector<16xf32>
      %add3A_1037 = arith.addf %add3A_1030, %mul3A_1036 : vector<16xf32>
      %add3A_1038 = arith.constant 2 : i32
      %add3A_1039 = vector.broadcast %add3A_1038 : i32 to vector<16xi32>
      %add3A_1040 = arith.addi %mul3A_48, %add3A_1039 : vector<16xi32>
      %gather3A_1041 = tpu.vector_load_idx %arg9[%select_n3A_17, %add3A_1040, %gather3A_989] : memref<8x32x128xf32, #tpu.memory_space<vmem>>[vector<16xi32>, vector<16xi32>, vector<16xi32>], vector<16xf32>,
      %gather3A_1042 = tpu.vector_load_idx %arg10[%select_n3A_17, %add3A_1040, %gather3A_1021] : memref<8x32x128xf32, #tpu.memory_space<vmem>>[vector<16xi32>, vector<16xi32>, vector<16xi32>], vector<16xf32>,
      %mul3A_1043 = arith.mulf %gather3A_1041, %gather3A_1042 : vector<16xf32>
      %add3A_1044 = arith.addf %add3A_1037, %mul3A_1043 : vector<16xf32>
      %add3A_1045 = arith.constant 3 : i32
      %add3A_1046 = vector.broadcast %add3A_1045 : i32 to vector<16xi32>
      %add3A_1047 = arith.addi %mul3A_48, %add3A_1046 : vector<16xi32>
      %gather3A_1048 = tpu.vector_load_idx %arg9[%select_n3A_17, %add3A_1047, %gather3A_989] : memref<8x32x128xf32, #tpu.memory_space<vmem>>[vector<16xi32>, vector<16xi32>, vector<16xi32>], vector<16xf32>,
      %gather3A_1049 = tpu.vector_load_idx %arg10[%select_n3A_17, %add3A_1047, %gather3A_1021] : memref<8x32x128xf32, #tpu.memory_space<vmem>>[vector<16xi32>, vector<16xi32>, vector<16xi32>], vector<16xf32>,
      %mul3A_1050 = arith.mulf %gather3A_1048, %gather3A_1049 : vector<16xf32>
      %add3A_1051 = arith.addf %add3A_1044, %mul3A_1050 : vector<16xf32>
      %add3A_1052 = arith.constant 4 : i32
      %add3A_1053 = vector.broadcast %add3A_1052 : i32 to vector<16xi32>
      %add3A_1054 = arith.addi %mul3A_48, %add3A_1053 : vector<16xi32>
      %gather3A_1055 = tpu.vector_load_idx %arg9[%select_n3A_17, %add3A_1054, %gather3A_989] : memref<8x32x128xf32, #tpu.memory_space<vmem>>[vector<16xi32>, vector<16xi32>, vector<16xi32>], vector<16xf32>,
      %gather3A_1056 = tpu.vector_load_idx %arg10[%select_n3A_17, %add3A_1054, %gather3A_1021] : memref<8x32x128xf32, #tpu.memory_space<vmem>>[vector<16xi32>, vector<16xi32>, vector<16xi32>], vector<16xf32>,
      %mul3A_1057 = arith.mulf %gather3A_1055, %gather3A_1056 : vector<16xf32>
      %add3A_1058 = arith.addf %add3A_1051, %mul3A_1057 : vector<16xf32>
      %add3A_1059 = arith.constant 5 : i32
      %add3A_1060 = vector.broadcast %add3A_1059 : i32 to vector<16xi32>
      %add3A_1061 = arith.addi %mul3A_48, %add3A_1060 : vector<16xi32>
      %gather3A_1062 = tpu.vector_load_idx %arg9[%select_n3A_17, %add3A_1061, %gather3A_989] : memref<8x32x128xf32, #tpu.memory_space<vmem>>[vector<16xi32>, vector<16xi32>, vector<16xi32>], vector<16xf32>,
      %gather3A_1063 = tpu.vector_load_idx %arg10[%select_n3A_17, %add3A_1061, %gather3A_1021] : memref<8x32x128xf32, #tpu.memory_space<vmem>>[vector<16xi32>, vector<16xi32>, vector<16xi32>], vector<16xf32>,
      %mul3A_1064 = arith.mulf %gather3A_1062, %gather3A_1063 : vector<16xf32>
      %add3A_1065 = arith.addf %add3A_1058, %mul3A_1064 : vector<16xf32>
      %add3A_1066 = arith.constant 6 : i32
      %add3A_1067 = vector.broadcast %add3A_1066 : i32 to vector<16xi32>
      %add3A_1068 = arith.addi %mul3A_48, %add3A_1067 : vector<16xi32>
      %gather3A_1069 = tpu.vector_load_idx %arg9[%select_n3A_17, %add3A_1068, %gather3A_989] : memref<8x32x128xf32, #tpu.memory_space<vmem>>[vector<16xi32>, vector<16xi32>, vector<16xi32>], vector<16xf32>,
      %gather3A_1070 = tpu.vector_load_idx %arg10[%select_n3A_17, %add3A_1068, %gather3A_1021] : memref<8x32x128xf32, #tpu.memory_space<vmem>>[vector<16xi32>, vector<16xi32>, vector<16xi32>], vector<16xf32>,
      %mul3A_1071 = arith.mulf %gather3A_1069, %gather3A_1070 : vector<16xf32>
      %add3A_1072 = arith.addf %add3A_1065, %mul3A_1071 : vector<16xf32>
      %add3A_1073 = arith.constant 7 : i32
      %add3A_1074 = vector.broadcast %add3A_1073 : i32 to vector<16xi32>
      %add3A_1075 = arith.addi %mul3A_48, %add3A_1074 : vector<16xi32>
      %gather3A_1076 = tpu.vector_load_idx %arg9[%select_n3A_17, %add3A_1075, %gather3A_989] : memref<8x32x128xf32, #tpu.memory_space<vmem>>[vector<16xi32>, vector<16xi32>, vector<16xi32>], vector<16xf32>,
      %gather3A_1077 = tpu.vector_load_idx %arg10[%select_n3A_17, %add3A_1075, %gather3A_1021] : memref<8x32x128xf32, #tpu.memory_space<vmem>>[vector<16xi32>, vector<16xi32>, vector<16xi32>], vector<16xf32>,
      %mul3A_1078 = arith.mulf %gather3A_1076, %gather3A_1077 : vector<16xf32>
      %add3A_1079 = arith.addf %add3A_1072, %mul3A_1078 : vector<16xf32>
      %add3A_1080 = arith.constant 8 : i32
      %add3A_1081 = vector.broadcast %add3A_1080 : i32 to vector<16xi32>
      %add3A_1082 = arith.addi %mul3A_48, %add3A_1081 : vector<16xi32>
      %gather3A_1083 = tpu.vector_load_idx %arg9[%select_n3A_17, %add3A_1082, %gather3A_989] : memref<8x32x128xf32, #tpu.memory_space<vmem>>[vector<16xi32>, vector<16xi32>, vector<16xi32>], vector<16xf32>,
      %gather3A_1084 = tpu.vector_load_idx %arg10[%select_n3A_17, %add3A_1082, %gather3A_1021] : memref<8x32x128xf32, #tpu.memory_space<vmem>>[vector<16xi32>, vector<16xi32>, vector<16xi32>], vector<16xf32>,
      %mul3A_1085 = arith.mulf %gather3A_1083, %gather3A_1084 : vector<16xf32>
      %add3A_1086 = arith.addf %add3A_1079, %mul3A_1085 : vector<16xf32>
      %add3A_1087 = arith.constant 9 : i32
      %add3A_1088 = vector.broadcast %add3A_1087 : i32 to vector<16xi32>
      %add3A_1089 = arith.addi %mul3A_48, %add3A_1088 : vector<16xi32>
      %gather3A_1090 = tpu.vector_load_idx %arg9[%select_n3A_17, %add3A_1089, %gather3A_989] : memref<8x32x128xf32, #tpu.memory_space<vmem>>[vector<16xi32>, vector<16xi32>, vector<16xi32>], vector<16xf32>,
      %gather3A_1091 = tpu.vector_load_idx %arg10[%select_n3A_17, %add3A_1089, %gather3A_1021] : memref<8x32x128xf32, #tpu.memory_space<vmem>>[vector<16xi32>, vector<16xi32>, vector<16xi32>], vector<16xf32>,
      %mul3A_1092 = arith.mulf %gather3A_1090, %gather3A_1091 : vector<16xf32>
      %add3A_1093 = arith.addf %add3A_1086, %mul3A_1092 : vector<16xf32>
      %add3A_1094 = arith.constant 10 : i32
      %add3A_1095 = vector.broadcast %add3A_1094 : i32 to vector<16xi32>
      %add3A_1096 = arith.addi %mul3A_48, %add3A_1095 : vector<16xi32>
      %gather3A_1097 = tpu.vector_load_idx %arg9[%select_n3A_17, %add3A_1096, %gather3A_989] : memref<8x32x128xf32, #tpu.memory_space<vmem>>[vector<16xi32>, vector<16xi32>, vector<16xi32>], vector<16xf32>,
      %gather3A_1098 = tpu.vector_load_idx %arg10[%select_n3A_17, %add3A_1096, %gather3A_1021] : memref<8x32x128xf32, #tpu.memory_space<vmem>>[vector<16xi32>, vector<16xi32>, vector<16xi32>], vector<16xf32>,
      %mul3A_1099 = arith.mulf %gather3A_1097, %gather3A_1098 : vector<16xf32>
      %add3A_1100 = arith.addf %add3A_1093, %mul3A_1099 : vector<16xf32>
      %add3A_1101 = arith.constant 11 : i32
      %add3A_1102 = vector.broadcast %add3A_1101 : i32 to vector<16xi32>
      %add3A_1103 = arith.addi %mul3A_48, %add3A_1102 : vector<16xi32>
      %gather3A_1104 = tpu.vector_load_idx %arg9[%select_n3A_17, %add3A_1103, %gather3A_989] : memref<8x32x128xf32, #tpu.memory_space<vmem>>[vector<16xi32>, vector<16xi32>, vector<16xi32>], vector<16xf32>,
      %gather3A_1105 = tpu.vector_load_idx %arg10[%select_n3A_17, %add3A_1103, %gather3A_1021] : memref<8x32x128xf32, #tpu.memory_space<vmem>>[vector<16xi32>, vector<16xi32>, vector<16xi32>], vector<16xf32>,
      %mul3A_1106 = arith.mulf %gather3A_1104, %gather3A_1105 : vector<16xf32>
      %add3A_1107 = arith.addf %add3A_1100, %mul3A_1106 : vector<16xf32>
      %add3A_1108 = arith.constant 12 : i32
      %add3A_1109 = vector.broadcast %add3A_1108 : i32 to vector<16xi32>
      %add3A_1110 = arith.addi %mul3A_48, %add3A_1109 : vector<16xi32>
      %gather3A_1111 = tpu.vector_load_idx %arg9[%select_n3A_17, %add3A_1110, %gather3A_989] : memref<8x32x128xf32, #tpu.memory_space<vmem>>[vector<16xi32>, vector<16xi32>, vector<16xi32>], vector<16xf32>,
      %gather3A_1112 = tpu.vector_load_idx %arg10[%select_n3A_17, %add3A_1110, %gather3A_1021] : memref<8x32x128xf32, #tpu.memory_space<vmem>>[vector<16xi32>, vector<16xi32>, vector<16xi32>], vector<16xf32>,
      %mul3A_1113 = arith.mulf %gather3A_1111, %gather3A_1112 : vector<16xf32>
      %add3A_1114 = arith.addf %add3A_1107, %mul3A_1113 : vector<16xf32>
      %add3A_1115 = arith.constant 13 : i32
      %add3A_1116 = vector.broadcast %add3A_1115 : i32 to vector<16xi32>
      %add3A_1117 = arith.addi %mul3A_48, %add3A_1116 : vector<16xi32>
      %gather3A_1118 = tpu.vector_load_idx %arg9[%select_n3A_17, %add3A_1117, %gather3A_989] : memref<8x32x128xf32, #tpu.memory_space<vmem>>[vector<16xi32>, vector<16xi32>, vector<16xi32>], vector<16xf32>,
      %gather3A_1119 = tpu.vector_load_idx %arg10[%select_n3A_17, %add3A_1117, %gather3A_1021] : memref<8x32x128xf32, #tpu.memory_space<vmem>>[vector<16xi32>, vector<16xi32>, vector<16xi32>], vector<16xf32>,
      %mul3A_1120 = arith.mulf %gather3A_1118, %gather3A_1119 : vector<16xf32>
      %add3A_1121 = arith.addf %add3A_1114, %mul3A_1120 : vector<16xf32>
      %add3A_1122 = arith.constant 14 : i32
      %add3A_1123 = vector.broadcast %add3A_1122 : i32 to vector<16xi32>
      %add3A_1124 = arith.addi %mul3A_48, %add3A_1123 : vector<16xi32>
      %gather3A_1125 = tpu.vector_load_idx %arg9[%select_n3A_17, %add3A_1124, %gather3A_989] : memref<8x32x128xf32, #tpu.memory_space<vmem>>[vector<16xi32>, vector<16xi32>, vector<16xi32>], vector<16xf32>,
      %gather3A_1126 = tpu.vector_load_idx %arg10[%select_n3A_17, %add3A_1124, %gather3A_1021] : memref<8x32x128xf32, #tpu.memory_space<vmem>>[vector<16xi32>, vector<16xi32>, vector<16xi32>], vector<16xf32>,
      %mul3A_1127 = arith.mulf %gather3A_1125, %gather3A_1126 : vector<16xf32>
      %add3A_1128 = arith.addf %add3A_1121, %mul3A_1127 : vector<16xf32>
      %add3A_1129 = arith.constant 15 : i32
      %add3A_1130 = vector.broadcast %add3A_1129 : i32 to vector<16xi32>
      %add3A_1131 = arith.addi %mul3A_48, %add3A_1130 : vector<16xi32>
      %gather3A_1132 = tpu.vector_load_idx %arg9[%select_n3A_17, %add3A_1131, %gather3A_989] : memref<8x32x128xf32, #tpu.memory_space<vmem>>[vector<16xi32>, vector<16xi32>, vector<16xi32>], vector<16xf32>,
      %gather3A_1133 = tpu.vector_load_idx %arg10[%select_n3A_17, %add3A_1131, %gather3A_1021] : memref<8x32x128xf32, #tpu.memory_space<vmem>>[vector<16xi32>, vector<16xi32>, vector<16xi32>], vector<16xf32>,
      %mul3A_1134 = arith.mulf %gather3A_1132, %gather3A_1133 : vector<16xf32>
      %add3A_1135 = arith.addf %add3A_1128, %mul3A_1134 : vector<16xf32>
      %lt3A_1136 = arith.constant 0 : i32
      %lt3A_1137 = vector.broadcast %lt3A_1136 : i32 to vector<16xi32>
      %lt3A_1138 = arith.cmpi slt, %select_n3A_73, %lt3A_1137 : vector<16xi32>
      %add3A_1139 = arith.constant 16 : i32
      %add3A_1140 = vector.broadcast %add3A_1139 : i32 to vector<16xi32>
      %add3A_1141 = arith.addi %select_n3A_73, %add3A_1140 : vector<16xi32>
      %select_n3A_1142 = arith.select %lt3A_1138, %add3A_1141, %select_n3A_73 : vector<16xi1>, vector<16xi32>
      %broadcast_in_dim3A_1143 = vector.shape_cast %select_n3A_1142 : vector<16xi32> to vector<16x1xi32>
      %gather3A_1144 = vector.shape_cast %broadcast_in_dim3A_1143 : vector<16x1xi32> to vector<16xi32>
      %gather3A_1145 = tpu.dynamic_gather %add3A_1135[%gather3A_1144] in [0] : vector<16xf32>, vector<16xi32> -> vector<16xf32>
      %add3A_1146 = arith.addf %add3A_1135, %gather3A_1145 : vector<16xf32>
      %swap3A = arith.index_cast %mul3A_81 : i32 to index
      %swap3A_1147 = tpu.vector_load %arg11[%swap3A] {strides = array<i32>} : memref<528xf32, #tpu.memory_space<vmem>>, vector<16xf32>,
      tpu.vector_store %arg11[%swap3A], %add3A_1146 {strides = array<i32>} : memref<528xf32, #tpu.memory_space<vmem>>, vector<16xf32>,
    }
    %scan3A_78 = arith.constant 64 : i32
    "tpu.region"() ({
      %run_scoped3A = tpu.sem_alloc : memref<!tpu.dma_semaphore, #tpu.memory_space<semaphore_mem>>
      %dma_start3A = arith.constant 0 : i32
      %dma_start3A_79 = tpu.memref_slice %arg11[%dma_start3A] : memref<528xf32, #tpu.memory_space<vmem>> -> memref<512xf32, #tpu.memory_space<vmem>>
      %dma_start3A_80 = tpu.memref_slice %arg6[%mul3A_2] : memref<16384xf32, #tpu.memory_space<hbm>> -> memref<512xf32, #tpu.memory_space<hbm>>
      %dma_start3A_81 = tpu.memref_slice %arg6[%mul3A_2] : memref<16384xf32, #tpu.memory_space<hbm>> -> memref<512xf32, #tpu.memory_space<hbm>>
      %dma_start3A_82 = arith.constant 0 : i32
      %dma_start3A_83 = tpu.memref_slice %arg11[%dma_start3A_82] : memref<528xf32, #tpu.memory_space<vmem>> -> memref<512xf32, #tpu.memory_space<vmem>>
      tpu.enqueue_dma source(%dma_start3A_83 : memref<512xf32, #tpu.memory_space<vmem>>) target(%dma_start3A_81 : memref<512xf32, #tpu.memory_space<hbm>>) target_semaphore(%run_scoped3A : memref<!tpu.dma_semaphore, #tpu.memory_space<semaphore_mem>>)
      %dma_wait3A = arith.constant 0 : i32
      %dma_wait3A_84 = tpu.memref_slice %arg11[%dma_wait3A] : memref<528xf32, #tpu.memory_space<vmem>> -> memref<512xf32, #tpu.memory_space<vmem>>
      %dma_wait3A_85 = tpu.memref_slice %arg6[%mul3A_2] : memref<16384xf32, #tpu.memory_space<hbm>> -> memref<512xf32, #tpu.memory_space<hbm>>
      %dma_wait3A_86 = tpu.memref_slice %arg6[%mul3A_2] : memref<16384xf32, #tpu.memory_space<hbm>> -> memref<512xf32, #tpu.memory_space<hbm>>
      %dma_wait3A_87 = arith.constant 0 : i32
      %dma_wait3A_88 = tpu.memref_slice %arg11[%dma_wait3A_87] : memref<528xf32, #tpu.memory_space<vmem>> -> memref<512xf32, #tpu.memory_space<vmem>>
      tpu.wait_dma2 semaphore(%run_scoped3A : memref<!tpu.dma_semaphore, #tpu.memory_space<semaphore_mem>>) src(%dma_wait3A_88 : memref<512xf32, #tpu.memory_space<vmem>>) dst(%dma_wait3A_86 : memref<512xf32, #tpu.memory_space<hbm>>)
      tpu.yield
    }) : () -> ()
    return
  }
}

</mosaic_0001>

<sc_bundles>
// kernel: kernel.3.cloned.1.call-start
scs
__scs_entry_jumppad:
0x0: {  	(pc) =	sbr.rel $0x88, $3  }
0x1: {  	(tag) =	ssettag $0x0;
	lr =	simm.s32 $0x1  }
0x2: {  	[smem:$0x3F9D] =	sst lr;
	_ =	strace $0xD0000000  }
0x3: {  	_ = 	snop  }
0x4: {  	_ = 	snop  }
0x5: {  	_ = 	snop  }
0x6: {  	_ = 	snop  }
0x7: {  	_ = 	snop  }
__scs_overlays_trampoline_lowered:
0x8: {  	[smem:$0x3FAC] =	sst s0  }
0x9: {  	[smem:$0x3FAD] =	sst s1  }
0xa: {  	[smem:$0x3FAE] =	sst s2  }
0xb: {  	[smem:$0x3FAF] =	sst s3  }
0xc: {  	[smem:$0x3FB0] =	sst s4  }
0xd: {  	[smem:$0x3FB1] =	sst s5  }
0xe: {  	[smem:$0x3FB2] =	sst s6  }
0xf: {  	[smem:$0x3FB3] =	sst s7  }
0x10: {  	[smem:$0x3FB4] =	sst s8  }
0x11: {  	[smem:$0x3FB5] =	sst s9;
	s0 =	simm.s32 @!p0 $0x0  }
0x12: {  	s1 =	sld [smem:$0x3F9B];
	s0 =	simm.s32 @p0 $0x1  }
0x13: {  	[smem:$0x3FB6] =	sst s0;
	s0 =	simm.s32 @!p1 $0x0  }
0x14: {  	s2 =	sld [smem:$0x3F9A];
	s0 =	simm.s32 @p1 $0x1  }
0x15: {  	[smem:$0x3FB7] =	sst s0;
	s0 =	simm.s32 @!p2 $0x0  }
0x16: {  	s3 =	sld [smem:$0x3FDB];
	s0 =	simm.s32 @p2 $0x1  }
0x17: {  	s4 =	simm.s32 $0x1BF5;
	[smem:$0x3FB9] =	sst s0  }
0x18: {  	s0 =	sld [smem:$0x3F9C];
	_ =	swait.ge [sflag:s4], $0x0  }
0x19: {  	s7 =	sld [smem:$0x3F9D]  }
0x1a: {  	s8 =	sadd.s32 $0xFFFFE003, lr  }
0x1b: {  	s9 =	sadd.s32 $0xFFFFFEF7, lr;
	s5 =	simm.s32 $0xFFFFFFFF;
	p2 =	slt.u32 s8, $0xFFFFF086  }
0x1c: {  	p1 =	slt.u32 s9, $0xF7A;
	s5 =	simm.s32 @!p2 $0x0  }
0x1d: {  	s5 =	simm.s32 @p1 $0x1;
	p0 =	seq.s32 s7, s2  }
0x1e: {  	s7 =	smul.u32 @!p0 $0xF7A, s2;
	p2 =	seq.s32 @!p0 s5, $0x0  }
0x1f: {  	s9 =	smul.u32 $0xF7A, s1;
	s8 =	simm.s32 @!p0 $0x1BF5;
	p2 =	por !p2, p0  }
0x20: {  	[sflag:s8] =	ssyncset.s32 @!p0 $0xFFFFF086;
	s6 =	sadd.s32 @!p0 s3, s7;
	s7 =	simm.s32 @!p0 $0x108  }
0x21: {  	s3 =	sadd.s32 s3, s9;
	s6 =	sadd.s32 @!p0 $0x88, s6;
	s7 =	simm.s32 @p2 $0x1082  }
0x22: {  	[simem:s7], [sflag:s8] =	dma.local @!p0 [hbm:s6], $0xF7A  }
0x23: {  	s9 =	sor.u32 $0xD0000000, s2;
	s6 =	simm.s32 $0x108;
	_ =	swait.ge @!p0 [sflag:s8], $0x0  }
0x24: {  	s3 =	sadd.s32 $0x88, s3;
	s6 =	simm.s32 @!p1 $0x1082;
	[sflag:s4] =	ssyncset.s32 $0xFFFFF086  }
0x25: {  	[simem:s6], [sflag:s4] =	dma.local [hbm:s3], $0xF7A  }
0x26: {  	[smem:$0x3F9D] =	sst s1;
	(tag) =	ssettag s2;
	_ =	strace s9  }
0x27: {  	s1 =	sld [smem:$0x3FAD]  }
0x28: {  	s2 =	sld [smem:$0x3FAE]  }
0x29: {  	s4 =	sld [smem:$0x3FB0]  }
0x2a: {  	p0 =	seq.s32 s5, $0x0;
	s5 =	sld [smem:$0x3FB1]  }
0x2b: {  	s6 =	sld [smem:$0x3FB2]  }
0x2c: {  	s7 =	sld [smem:$0x3FB3]  }
0x2d: {  	s3 =	simm.s32 $0x108;
	s8 =	sld [smem:$0x3FB4]  }
0x2e: {  	s3 =	simm.s32 @!p0 $0x1082;
	s9 =	sld [smem:$0x3FB5]  }
0x2f: {  	lr =	sadd.s32 s0, s3;
	s0 =	sld [smem:$0x3FAC]  }
0x30: {  	s3 =	sld [smem:$0x3FAF]  }
0x31: {  	[smem:$0x3FB8] =	sst s10  }
0x32: {  	s10 =	sld [smem:$0x3FB6];
	_ =	sdelay $0x3  }
0x33: {  	p0 =	seq.s32 s10, $0x1;
	s10 =	sld [smem:$0x3FB8];
	_ =	sdelay $0x3  }
0x34: {  	[smem:$0x3FB8] =	sst s10  }
0x35: {  	s10 =	sld [smem:$0x3FB7];
	_ =	sdelay $0x3  }
0x36: {  	p1 =	seq.s32 s10, $0x1;
	s10 =	sld [smem:$0x3FB8];
	_ =	sdelay $0x3  }
0x37: {  	[smem:$0x3FB8] =	sst s10  }
0x38: {  	s10 =	sld [smem:$0x3FB9]  }
0x39: {  	_ = 	snop;
	(pc) =	sbr.ind lr, $3  }
0x3a: {  	_ = 	snop  }
0x3b: {  	_ = 	snop  }
0x3c: {  	p2 =	seq.s32 s10, $0x1;
	s10 =	sld [smem:$0x3FB8]  }
0x3d: {  	_ =	shalt  }
0x3e: {  	_ =	shalt  }
0x3f: {  	_ =	shalt  }
0x40: {  	_ =	shalt  }
0x41: {  	_ =	shalt  }
0x42: {  	_ =	shalt  }
0x43: {  	_ =	shalt  }
0x44: {  	_ =	shalt  }
0x45: {  	_ =	shalt  }
0x46: {  	_ =	shalt  }
0x47: {  	_ =	shalt  }
0x48: {  	_ =	shalt  }
0x49: {  	_ =	shalt  }
0x4a: {  	_ =	shalt  }
0x4b: {  	_ =	shalt  }
0x4c: {  	_ =	shalt  }
0x4d: {  	_ =	shalt  }
0x4e: {  	_ =	shalt  }
0x4f: {  	_ =	shalt  }
0x50: {  	_ =	shalt  }
0x51: {  	_ =	shalt  }
0x52: {  	_ =	shalt  }
0x53: {  	_ =	shalt  }
0x54: {  	_ =	shalt  }
0x55: {  	_ =	shalt  }
0x56: {  	_ =	shalt  }
0x57: {  	_ =	shalt  }
0x58: {  	_ =	shalt  }
0x59: {  	_ =	shalt  }
0x5a: {  	_ =	shalt  }
0x5b: {  	_ =	shalt  }
0x5c: {  	_ =	shalt  }
0x5d: {  	_ =	shalt  }
0x5e: {  	_ =	shalt  }
0x5f: {  	_ =	shalt  }
0x60: {  	_ =	shalt  }
0x61: {  	_ =	shalt  }
0x62: {  	_ =	shalt  }
0x63: {  	_ =	shalt  }
0x64: {  	_ =	shalt  }
0x65: {  	_ =	shalt  }
0x66: {  	_ =	shalt  }
0x67: {  	_ =	shalt  }
0x68: {  	_ =	shalt  }
0x69: {  	_ =	shalt  }
0x6a: {  	_ =	shalt  }
0x6b: {  	_ =	shalt  }
0x6c: {  	_ =	shalt  }
0x6d: {  	_ =	shalt  }
0x6e: {  	_ =	shalt  }
0x6f: {  	_ =	shalt  }
0x70: {  	_ =	shalt  }
0x71: {  	_ =	shalt  }
0x72: {  	_ =	shalt  }
0x73: {  	_ =	shalt  }
0x74: {  	_ =	shalt  }
0x75: {  	_ =	shalt  }
0x76: {  	_ =	shalt  }
0x77: {  	_ =	shalt  }
0x78: {  	_ =	shalt  }
0x79: {  	_ =	shalt  }
0x7a: {  	_ =	shalt  }
0x7b: {  	_ =	shalt  }
0x7c: {  	_ =	shalt  }
0x7d: {  	_ =	shalt  }
0x7e: {  	_ =	shalt  }
0x7f: {  	_ =	shalt  }
0x80: {  	_ =	shalt  }
0x81: {  	_ =	shalt  }
0x82: {  	_ =	shalt  }
0x83: {  	_ =	shalt  }
0x84: {  	_ =	shalt  }
0x85: {  	_ =	shalt  }
0x86: {  	_ =	shalt  }
0x87: {  	_ =	shalt  }
.Lfunc_end0:
.L_simem_size_0:
called_computation_lowered:
.L_overlay_start_0:
0x88: {  	s2 =	sld [smem:$0x3FD9]  }
0x89: {  	s3 =	sld [smem:$0x3FFE];
	_ =	sdelay $0x1  }
0x8a: {  	s1 =	srdreg.scid  }
0x8b: {  	s0 =	sand.u32 $0x1, s1  }
0x8c: {  	s18 =	sshll.u32 s0, $0xA;
	s2 =	sadd.s32 s3, s2  }
0x8d: {  	s2 =	sadd.s32 s2, s18  }
0x8e: {  	[smem:$0x3FC4] =	sst s2  }
0x8f: {  	_ = 	snop  }
0x90: {  	s2 =	sld [smem:$0x3FC9]  }
0x91: {  	s19 =	sld [smem:$0x3FC8]  }
0x92: {  	s4 =	sld [smem:$0x3FC7]  }
0x93: {  	s5 =	sld [smem:$0x3FC6]  }
0x94: {  	s6 =	sld [smem:$0x3FD0];
	(tm) =	ssettm $0x1  }
0x95: {  	s7 =	sld [smem:$0x3FFB];
	_ =	sdelay $0x3  }
0x96: {  	_ =	strace s7  }
0x97: {  	s7 =	sld [smem:$0x3FFC];
	_ =	sdelay $0x3  }
0x98: {  	_ =	strace s7  }
0x99: {  	s7 =	sld [smem:$0x3FFD];
	_ =	sdelay $0x3  }
0x9a: {  	_ =	strace s7  }
0x9b: {  	_ =	strace $0x8FFFFFFF  }
0x9c: {  	s20 =	sld [smem:$0x3FDB];
	_ =	sdelay $0x1  }
0x9d: {  	s8 =	simm.s32 $_scs_section_size  }
0x9e: {  	s9 =	simm.s32 $_size__tile_overlayer_lowered;
	s10 =	simm.s32 $_tile_overlayer_lowered  }
0x9f: {  	s23 =	simm.s32 $0x1BFF;
	s22 =	sshll.u32 s10, $0x1;
	s7 =	sadd.s32 s8, s20  }
0xa0: {  	s11 =	simm.s32 $0x0;
	s21 =	sshll.u32 s9, $0x1;
	s9 =	sadd.s32 s22, s7  }
0xa1: {  	[timem:s11], [sflag:s23] =	dma.local [hbm:s9], s21  }
0xa2: {  	_ =	swait.ge [sflag:s23], s21  }
0xa3: {  	s8 =	ssub.s32 $0x0, s21;
	[sflag:s23] =	ssyncset.done $0x0  }
0xa4: {  	[sflag:s23] =	ssyncadd.s32 s8;
	_ =	sdelay $0x1  }
0xa5: {  	s24 =	simm.s32 $0x1B8B  }
0xa6: {  	_ =	swait.ge [sflag:s24], $0x1  }
0xa7: {  	[sflag:s24] =	ssyncset.done $0x0  }
0xa8: {  	s25 =	simm.s32 $0x1B8E;
	[sflag:s24] =	ssyncadd.s32 $0xFFFFFFFF  }
0xa9: {  	s26 =	simm.s32 $execute0_lowered;
	[smem:$0x3FD2] =	sst s25  }
0xaa: {  	s8 =	sshll.u32 s26, $0x1;
	_ =	strace $0x80000046;
	[dreg:$0x1] =	wrdreg $0xFFFFFFFF  }
0xab: {  	s28 =	simm.s32 $_size_execute0_lowered;
	s7 =	sadd.s32 s7, s8;
	[dreg:$0x0] =	wrdreg $0x0  }
0xac: {  	s8 =	sshll.u32 s28, $0x1;
	[dreg:$0x2] =	wrdreg s7  }
0xad: {  	[dreg:$0x3] =	wrdreg s8  }
0xae: {  	[dreg:$0x4] =	wrdreg $0xC0  }
0xaf: {  	_ =	task [dreg:s11], $0x5FFFF  }
0xb0: {  	[dreg:$0x1] =	wrdreg $0xFFFFFFFF  }
0xb1: {  	[dreg:$0x0] =	wrdreg $0x60  }
0xb2: {  	[dreg:$0x2] =	wrdreg s2  }
0xb3: {  	[dreg:$0x3] =	wrdreg s19  }
0xb4: {  	[dreg:$0x4] =	wrdreg s4  }
0xb5: {  	[dreg:$0x5] =	wrdreg s5  }
0xb6: {  	[dreg:$0x6] =	wrdreg s6  }
0xb7: {  	[dreg:$0x7] =	wrdreg $0x9  }
0xb8: {  	_ =	task.clear_ibuf [dreg:s11], $0x8FFFF;
	_ =	strace $0x90000046  }
0xb9: {  	s29 =	simm.s32 $0x9;
	_ =	strace $0x80000048  }
0xba: {  	_ =	swait.ge [sflag:s29], $0x1  }
0xbb: {  	[sflag:s29] =	ssyncadd.s32 $0xFFFFFFFF  }
0xbc: {  	_ =	strace $0x90000048  }
0xbd: {  	_ =	sfence  }
0xbe: {  	s30 =	sld [smem:$0x0];
	_ =	sdelay $0x2  }
0xbf: {  	s31 =	sshll.u32 s1, $0xD;
	s1 =	sshrl.u32 s1, $0x2  }
0xc0: {  	s3 =	sand.u32 $0x4000, s31;
	s1 =	sadd.s32 s1, s30  }
0xc1: {  	s0 =	sor.u32 s3, s0;
	s1 =	sshll.u32 s1, $0x11  }
0xc2: {  	s0 =	sor.u32 s1, s0  }
0xc3: {  	s0 =	sadd.s32 $0x8F2B, s0  }
0xc4: {  	[sflag:s0] =	ssyncadd.remote.s32 $0x1  }
0xc5: {  	_ =	sfence.sel $0xFFFF  }
0xc6: {  	[dreg:$0x0] =	wrdreg $0xFFFFFFFF;
	(pc) =	sbr.abs _section_cstart, $3  }
0xc7: {  	[dreg:$0x1] =	wrdreg $0xFFFFFFFF  }
0xc8: {  	_ =	task.clear_ibuf [dreg:s11], $0x2FFFF;
	_ =	strace $0x9FFFFFFF  }
0xc9: {  	(tm) =	ssettm $0x7FFFFFFF  }
tec
execute0_lowered:
.L_overlay_start_1:
0x0: {  	(tag) =	ssettag $0x1  }
0x1: {  	v0 =	vimm.s32 $0x7800;
	vm14 =	vcmask $0x300  }
0x2: {  	vm13 =	vcmask $0x704;
	vm12 =	vcmask $0xB08;
	vm11 =	vcmask $0xF0C  }
0x3: {  	vm10 =	vcmask $0x1310;
	vm9 =	vcmask $0x1714;
	vm8 =	vcmask $0x1B18  }
0x4: {  	v1 =	vlaneseq.u32;
	vm7 =	vcmask $0x1F1C;
	vm6 =	vcmask $0x2320  }
0x5: {  	vm5 =	vcmask $0x2724;
	vm4 =	vcmask $0x2B28;
	vm3 =	vcmask $0x2F2C  }
0x6: {  	vm2 =	vcmask $0x3330;
	vm1 =	vcmask $0x3734;
	vm0 =	vcmask $0x3B38  }
0x7: {  	v3 =	vimm.s32 $0x7900;
	v4 =	vimm.s32 $0x7980;
	v5 =	vimm.s32 $0x7A00  }
0x8: {  	v6 =	vimm.s32 $0x7A80;
	v7 =	vimm.s32 $0x7B00;
	v8 =	vimm.s32 $0x7B80  }
0x9: {  	v9 =	vimm.s32 $0x7C00;
	v10 =	vimm.s32 $0x7C80;
	v11 =	vimm.s32 $0x7D00  }
0xa: {  	v12 =	vimm.s32 $0x7D80;
	v13 =	vimm.s32 $0x7E00;
	v14 =	vimm.s32 $0x7E80  }
0xb: {  	v15 =	vimm.s32 $0x7F00;
	v16 =	vimm.s32 $0x7F80;
	v17 =	vimm.s32 $0xFEDCBA98  }
0xc: {  	v18 =	vimm.s32 $0x76543210;
	v0 =	vsel vm14, $0x0, v0;
	v3 =	vsel vm14, $0x100, v3  }
0xd: {  	v4 =	vsel vm14, $0x180, v4;
	v5 =	vsel vm14, $0x200, v5;
	v6 =	vsel vm14, $0x280, v6  }
0xe: {  	v7 =	vsel vm14, $0x300, v7;
	v8 =	vsel vm14, $0x380, v8;
	v9 =	vsel vm14, $0x400, v9  }
0xf: {  	v10 =	vsel vm14, $0x480, v10;
	v11 =	vsel vm14, $0x500, v11;
	v12 =	vsel vm14, $0x580, v12  }
0x10: {  	v13 =	vsel vm14, $0x600, v13;
	v14 =	vsel vm14, $0x680, v14;
	v15 =	vsel vm14, $0x700, v15  }
0x11: {  	v16 =	vsel vm14, $0x780, v16;
	v17 =	vunpack.c.l.s4.s8 v17;
	v18 =	vunpack.c.l.s4.s8 v18  }
0x12: {  	v0 =	vsel vm13, $0x1000, v0;
	v3 =	vsel vm13, $0x1100, v3;
	v4 =	vsel vm13, $0x1180, v4  }
0x13: {  	v5 =	vsel vm13, $0x1200, v5;
	v6 =	vsel vm13, $0x1280, v6;
	v7 =	vsel vm13, $0x1300, v7  }
0x14: {  	v8 =	vsel vm13, $0x1380, v8;
	v9 =	vsel vm13, $0x1400, v9;
	v10 =	vsel vm13, $0x1480, v10  }
0x15: {  	v11 =	vsel vm13, $0x1500, v11;
	v12 =	vsel vm13, $0x1580, v12;
	v13 =	vsel vm13, $0x1600, v13  }
0x16: {  	v14 =	vsel vm13, $0x1680, v14;
	v15 =	vsel vm13, $0x1700, v15;
	v16 =	vsel vm13, $0x1780, v16  }
0x17: {  	v0 =	vsel vm12, $0x2000, v0;
	v3 =	vsel vm12, $0x2100, v3;
	v4 =	vsel vm12, $0x2180, v4  }
0x18: {  	v5 =	vsel vm12, $0x2200, v5;
	v6 =	vsel vm12, $0x2280, v6;
	v7 =	vsel vm12, $0x2300, v7  }
0x19: {  	v8 =	vsel vm12, $0x2380, v8;
	v9 =	vsel vm12, $0x2400, v9;
	v10 =	vsel vm12, $0x2480, v10  }
0x1a: {  	v11 =	vsel vm12, $0x2500, v11;
	v12 =	vsel vm12, $0x2580, v12;
	v13 =	vsel vm12, $0x2600, v13  }
0x1b: {  	v14 =	vsel vm12, $0x2680, v14;
	v15 =	vsel vm12, $0x2700, v15;
	v16 =	vsel vm12, $0x2780, v16  }
0x1c: {  	v17 =	vunpack.c.0.s8.s32 v17;
	v18 =	vunpack.c.0.s8.s32 v18;
	v0 =	vsel vm11, $0x3000, v0  }
0x1d: {  	v3 =	vsel vm11, $0x3100, v3;
	v4 =	vsel vm11, $0x3180, v4;
	v5 =	vsel vm11, $0x3200, v5  }
0x1e: {  	v6 =	vsel vm11, $0x3280, v6;
	v7 =	vsel vm11, $0x3300, v7;
	v8 =	vsel vm11, $0x3380, v8  }
0x1f: {  	v9 =	vsel vm11, $0x3400, v9;
	v10 =	vsel vm11, $0x3480, v10;
	v11 =	vsel vm11, $0x3500, v11  }
0x20: {  	v12 =	vsel vm11, $0x3580, v12;
	v13 =	vsel vm11, $0x3600, v13;
	v14 =	vsel vm11, $0x3680, v14  }
0x21: {  	v15 =	vsel vm11, $0x3700, v15;
	v16 =	vsel vm11, $0x3780, v16;
	v0 =	vsel vm10, $0x4000, v0  }
0x22: {  	v3 =	vsel vm10, $0x4100, v3;
	v4 =	vsel vm10, $0x4180, v4;
	v5 =	vsel vm10, $0x4200, v5  }
0x23: {  	v6 =	vsel vm10, $0x4280, v6;
	v7 =	vsel vm10, $0x4300, v7;
	v8 =	vsel vm10, $0x4380, v8  }
0x24: {  	v9 =	vsel vm10, $0x4400, v9;
	v10 =	vsel vm10, $0x4480, v10;
	v11 =	vsel vm10, $0x4500, v11  }
0x25: {  	v12 =	vsel vm10, $0x4580, v12;
	v13 =	vsel vm10, $0x4600, v13;
	v14 =	vsel vm10, $0x4680, v14  }
0x26: {  	v15 =	vsel vm10, $0x4700, v15;
	v16 =	vsel vm10, $0x4780, v16;
	v17 =	vand.u32 $0xF, v17  }
0x27: {  	v0 =	vsel vm9, $0x5000, v0;
	v3 =	vsel vm9, $0x5100, v3;
	v4 =	vsel vm9, $0x5180, v4  }
0x28: {  	v5 =	vsel vm9, $0x5200, v5;
	v6 =	vsel vm9, $0x5280, v6;
	v7 =	vsel vm9, $0x5300, v7  }
0x29: {  	v8 =	vsel vm9, $0x5380, v8;
	v9 =	vsel vm9, $0x5400, v9;
	v10 =	vsel vm9, $0x5480, v10  }
0x2a: {  	v11 =	vsel vm9, $0x5500, v11;
	v12 =	vsel vm9, $0x5580, v12;
	v13 =	vsel vm9, $0x5600, v13  }
0x2b: {  	v14 =	vsel vm9, $0x5680, v14;
	v15 =	vsel vm9, $0x5700, v15;
	v16 =	vsel vm9, $0x5780, v16  }
0x2c: {  	v17 =	vcombine.low v17, v18;
	v2 =	vsel vm8, $0x6000, v0;
	v0 =	vand.u32 $0x7, v1  }
0x2d: {  	v3 =	vsel vm8, $0x6100, v3;
	v4 =	vsel vm8, $0x6180, v4;
	v5 =	vsel vm8, $0x6200, v5  }
0x2e: {  	v6 =	vsel vm8, $0x6280, v6;
	v7 =	vsel vm8, $0x6300, v7;
	v8 =	vsel vm8, $0x6380, v8  }
0x2f: {  	v9 =	vsel vm8, $0x6400, v9;
	v10 =	vsel vm8, $0x6480, v10;
	v11 =	vsel vm8, $0x6500, v11  }
0x30: {  	v12 =	vsel vm8, $0x6580, v12;
	v13 =	vsel vm8, $0x6600, v13;
	v14 =	vsel vm8, $0x6680, v14  }
0x31: {  	v15 =	vsel vm8, $0x6700, v15;
	v16 =	vsel vm8, $0x6780, v16;
	v1 =	vsel vm7, $0x7000, v2  }
0x32: {  	v2 =	vimm.s32 $0x7880;
	v3 =	vsel vm7, $0x7100, v3;
	v4 =	vsel vm7, $0x7180, v4  }
0x33: {  	v5 =	vsel vm7, $0x7200, v5;
	v6 =	vsel vm7, $0x7280, v6;
	v7 =	vsel vm7, $0x7300, v7  }
0x34: {  	v8 =	vsel vm7, $0x7380, v8;
	v9 =	vsel vm7, $0x7400, v9;
	v10 =	vsel vm7, $0x7480, v10  }
0x35: {  	v11 =	vsel vm7, $0x7500, v11;
	v12 =	vsel vm7, $0x7580, v12;
	v13 =	vsel vm7, $0x7600, v13  }
0x36: {  	v14 =	vsel vm7, $0x7680, v14;
	v15 =	vsel vm7, $0x7700, v15;
	v16 =	vsel vm7, $0x7780, v16  }
0x37: {  	v1 =	vsel vm6, $0x800, v1;
	v2 =	vsel vm14, $0x80, v2;
	v3 =	vsel vm6, $0x900, v3  }
0x38: {  	v4 =	vsel vm6, $0x980, v4;
	v5 =	vsel vm6, $0xA00, v5;
	v6 =	vsel vm6, $0xA80, v6  }
0x39: {  	v7 =	vsel vm6, $0xB00, v7;
	v8 =	vsel vm6, $0xB80, v8;
	v9 =	vsel vm6, $0xC00, v9  }
0x3a: {  	v10 =	vsel vm6, $0xC80, v10;
	v11 =	vsel vm6, $0xD00, v11;
	v12 =	vsel vm6, $0xD80, v12  }
0x3b: {  	v13 =	vsel vm6, $0xE00, v13;
	v14 =	vsel vm6, $0xE80, v14;
	v15 =	vsel vm6, $0xF00, v15  }
0x3c: {  	v16 =	vsel vm6, $0xF80, v16;
	v1 =	vsel vm5, $0x1800, v1;
	v2 =	vsel vm13, $0x1080, v2  }
0x3d: {  	v3 =	vsel vm5, $0x1900, v3;
	v4 =	vsel vm5, $0x1980, v4;
	v5 =	vsel vm5, $0x1A00, v5  }
0x3e: {  	v6 =	vsel vm5, $0x1A80, v6;
	v7 =	vsel vm5, $0x1B00, v7;
	v8 =	vsel vm5, $0x1B80, v8  }
0x3f: {  	v9 =	vsel vm5, $0x1C00, v9;
	v10 =	vsel vm5, $0x1C80, v10;
	v11 =	vsel vm5, $0x1D00, v11  }
0x40: {  	v12 =	vsel vm5, $0x1D80, v12;
	v13 =	vsel vm5, $0x1E00, v13;
	v14 =	vsel vm5, $0x1E80, v14  }
0x41: {  	v15 =	vsel vm5, $0x1F00, v15;
	v16 =	vsel vm5, $0x1F80, v16;
	v1 =	vsel vm4, $0x2800, v1  }
0x42: {  	v2 =	vsel vm12, $0x2080, v2;
	v3 =	vsel vm4, $0x2900, v3;
	v4 =	vsel vm4, $0x2980, v4  }
0x43: {  	v5 =	vsel vm4, $0x2A00, v5;
	v6 =	vsel vm4, $0x2A80, v6;
	v7 =	vsel vm4, $0x2B00, v7  }
0x44: {  	v8 =	vsel vm4, $0x2B80, v8;
	v9 =	vsel vm4, $0x2C00, v9;
	v10 =	vsel vm4, $0x2C80, v10  }
0x45: {  	v11 =	vsel vm4, $0x2D00, v11;
	v12 =	vsel vm4, $0x2D80, v12;
	v13 =	vsel vm4, $0x2E00, v13  }
0x46: {  	v14 =	vsel vm4, $0x2E80, v14;
	v15 =	vsel vm4, $0x2F00, v15;
	v16 =	vsel vm4, $0x2F80, v16  }
0x47: {  	s5 =	rddreg [dreg:$0x0];
	v1 =	vsel vm3, $0x3800, v1;
	v2 =	vsel vm11, $0x3080, v2;
	v3 =	vsel vm3, $0x3900, v3  }
0x48: {  	s6 =	rddreg [dreg:$0x1];
	v4 =	vsel vm3, $0x3980, v4;
	v5 =	vsel vm3, $0x3A00, v5;
	v6 =	vsel vm3, $0x3A80, v6  }
0x49: {  	s0 =	rddreg [dreg:$0x2];
	v7 =	vsel vm3, $0x3B00, v7;
	v8 =	vsel vm3, $0x3B80, v8;
	v9 =	vsel vm3, $0x3C00, v9  }
0x4a: {  	s1 =	rddreg [dreg:$0x3];
	v10 =	vsel vm3, $0x3C80, v10;
	v11 =	vsel vm3, $0x3D00, v11;
	v12 =	vsel vm3, $0x3D80, v12  }
0x4b: {  	s7 =	rddreg [dreg:$0x4];
	v13 =	vsel vm3, $0x3E00, v13;
	v14 =	vsel vm3, $0x3E80, v14;
	v15 =	vsel vm3, $0x3F00, v15  }
0x4c: {  	s2 =	rddreg [dreg:$0x5];
	s3 =	simm.s32 $0x0;
	v16 =	vsel vm3, $0x3F80, v16;
	v1 =	vsel vm2, $0x4800, v1;
	v2 =	vsel vm10, $0x4080, v2  }
0x4d: {  	s11 =	simm.s32 $0x1500;
	[smem:$0x7FF] =	sst s3;
	v3 =	vsel vm2, $0x4900, v3;
	v4 =	vsel vm2, $0x4980, v4;
	v5 =	vsel vm2, $0x4A00, v5  }
0x4e: {  	s23 =	simm.s32 $0x9500;
	_ =	strace $0x80000047;
	[dreg:$0x6] =	wrdreg s11;
	v6 =	vsel vm2, $0x4A80, v6;
	v7 =	vsel vm2, $0x4B00, v7;
	v8 =	vsel vm2, $0x4B80, v8  }
0x4f: {  	s24 =	simm.s32 $0x2500;
	[dreg:$0x7] =	wrdreg s23;
	v9 =	vsel vm2, $0x4C00, v9;
	v10 =	vsel vm2, $0x4C80, v10;
	v11 =	vsel vm2, $0x4D00, v11  }
0x50: {  	s4 =	srdreg.scid;
	s25 =	simm.s32 $0xA500;
	[dreg:$0x8] =	wrdreg s24;
	v12 =	vsel vm2, $0x4D80, v12;
	v13 =	vsel vm2, $0x4E00, v13;
	v14 =	vsel vm2, $0x4E80, v14  }
0x51: {  	s26 =	simm.s32 $0x3500;
	s28 =	simm.s32 $0xB500;
	[dreg:$0x9] =	wrdreg s25;
	v15 =	vsel vm2, $0x4F00, v15;
	v16 =	vsel vm2, $0x4F80, v16;
	v1 =	vsel vm1, $0x5800, v1  }
0x52: {  	s29 =	simm.s32 $0x4500;
	s30 =	simm.s32 $0xC500;
	[dreg:$0xa] =	wrdreg s26;
	v2 =	vsel vm9, $0x5080, v2;
	v3 =	vsel vm1, $0x5900, v3;
	v4 =	vsel vm1, $0x5980, v4  }
0x53: {  	s12 =	simm.s32 $0x5500;
	s13 =	simm.s32 $0xD500;
	[dreg:$0xb] =	wrdreg s28;
	v5 =	vsel vm1, $0x5A00, v5;
	v6 =	vsel vm1, $0x5A80, v6;
	v7 =	vsel vm1, $0x5B00, v7  }
0x54: {  	s14 =	simm.s32 $0x6500;
	s15 =	simm.s32 $0xE500;
	[dreg:$0xc] =	wrdreg s29;
	v8 =	vsel vm1, $0x5B80, v8;
	v9 =	vsel vm1, $0x5C00, v9;
	v10 =	vsel vm1, $0x5C80, v10  }
0x55: {  	s16 =	simm.s32 $0x7500;
	s31 =	simm.s32 $0xF500;
	[dreg:$0xd] =	wrdreg s30;
	v11 =	vsel vm1, $0x5D00, v11;
	v12 =	vsel vm1, $0x5D80, v12;
	v13 =	vsel vm1, $0x5E00, v13  }
0x56: {  	s17 =	simm.s32 $0x0;
	s8 =	sand.u32 $0x1, s4;
	[dreg:$0xe] =	wrdreg s12;
	v14 =	vsel vm1, $0x5E80, v14;
	v15 =	vsel vm1, $0x5F00, v15;
	v2 =	vsel vm8, $0x6080, v2  }
0x57: {  	s4 =	stileid.u32;
	s9 =	ssub.s32 $0x2, s8;
	[dreg:$0xf] =	wrdreg s13;
	v16 =	vsel vm1, $0x5F80, v16;
	v1 =	vsel vm0, $0x6800, v1;
	v2 =	vsel vm7, $0x7080, v2  }
0x58: {  	s22 =	sshll.u32 s4, $0x7;
	s8 =	sshll.u32 s8, $0x6;
	[dreg:$0x10] =	wrdreg s14;
	v3 =	vsel vm0, $0x6900, v3;
	v4 =	vsel vm0, $0x6980, v4;
	v2 =	vsel vm6, $0x880, v2  }
0x59: {  	s11 =	simm.s32 $0x1;
	s12 =	simm.s32 $0x400;
	[dreg:$0x11] =	wrdreg s15;
	v5 =	vsel vm0, $0x6A00, v5;
	v6 =	vsel vm0, $0x6A80, v6;
	v2 =	vsel vm5, $0x1880, v2  }
0x5a: {  	s13 =	simm.s32 $0x7A1400;
	s14 =	simm.s32 $0x500;
	[dreg:$0x12] =	wrdreg s16;
	v7 =	vsel vm0, $0x6B00, v7;
	v8 =	vsel vm0, $0x6B80, v8;
	v2 =	vsel vm4, $0x2880, v2  }
0x5b: {  	s15 =	simm.s32 $0x8500;
	[dreg:$0x13] =	wrdreg s31;
	s10 =	sshrl.u32 s9, $0x1;
	v9 =	vsel vm0, $0x6C00, v9;
	v10 =	vsel vm0, $0x6C80, v10;
	v2 =	vsel vm3, $0x3880, v2  }
0x5c: {  	s16 =	simm.s32 $0x10500;
	s8 =	sor.u32 s8, s22;
	s9 =	ssub.s32 s9, s10;
	v11 =	vsel vm0, $0x6D00, v11;
	v12 =	vsel vm0, $0x6D80, v12;
	v2 =	vsel vm2, $0x4880, v2  }
0x5d: {  	s5 =	sadd.s32 s5, s8;
	s6 =	sadd.s32 s6, s8;
	s7 =	sadd.s32 s7, s8;
	v13 =	vsel vm0, $0x6E00, v13;
	v14 =	vsel vm0, $0x6E80, v14;
	v2 =	vsel vm1, $0x5880, v2  }
0x5e: {  	s10 =	simm.s32 $0x280;
	s8 =	smax.u32 s9, $0x1;
	s9 =	simm.s32 $0x2;
	v15 =	vsel vm0, $0x6F00, v15;
	v16 =	vsel vm0, $0x6F80, v16;
	v2 =	vsel vm0, $0x6880, v2  }
.LBB2_1:
0x5f: {  	[tilespmem:s3], [sflag:$0x2] =	stream.linear.gather [hbm4b:s5+s3], $0x200, $0x38;
	[tilespmem:$0x10780] =	vst v63  }
0x60: {  	_ =	swait.ge [sflag:s9], $0x200  }
0x61: {  	[sflag:s9] =	ssyncset.done $0x0  }
0x62: {  	[sflag:s9] =	ssyncadd.s32 $0xFFFFFE00  }
0x63: {  	[tilespmem:s10], [sflag:$0x2] =	stream.linear.gather [hbm4b:s6+s3], $0x200, $0x38;
	[tilespmem:$0x10780] =	vst v63  }
0x64: {  	_ =	swait.ge [sflag:s9], $0x200  }
0x65: {  	[sflag:s9] =	ssyncset.done $0x0  }
0x66: {  	s18 =	simm.s32 $0x0;
	[sflag:s9] =	ssyncadd.s32 $0xFFFFFE00  }
.LBB2_2:
0x67: {  	s19 =	sshra.s32 s18, $0x2  }
0x68: {  	v18 =	vld [tilespmem:s19+$0x280];
	_ =	sdelay $0x4  }
0x69: {  	(v2sf) =	vpush v18, $0x0;
	_ =	sdelay $0x5  }
0x6a: {  	v19 =	vld [tilespmem:s19+$0x0];
	_ =	sdelay $0x4  }
0x6b: {  	(v2sf) =	vpush v19, $0x0;
	_ =	sdelay $0x2  }
0x6c: {  	(v2sf) =	vpush v18, $0x1  }
0x6d: {  	s20 =	spop (v2sf);
	(v2sf) =	vpush v19, $0x1;
	_ =	sdelay $0xa  }
0x6e: {  	s21 =	sand.u32 $0x7F, s20;
	s22 =	spop (v2sf);
	s23 =	sshra.s32 s20, $0x1F  }
0x6f: {  	p6 =	slt.s32 s20, $0x1;
	(v2sf) =	vpush v18, $0x2;
	p0 =	sne.s32 s21, $0x0;
	s29 =	sand.u32 $0x7F, s22  }
0x70: {  	s30 =	sshra.s32 s22, $0x1F;
	p2 =	slt.s32 s22, $0x1;
	s23 =	sshrl.u32 s23, $0x19  }
0x71: {  	s31 =	spop (v2sf);
	p1 =	sne.s32 s29, $0x0;
	s21 =	sshrl.u32 s30, $0x19  }
0x72: {  	s20 =	sadd.s32 s23, s20;
	p1 =	por !p2, !p1;
	s24 =	spop (v2sf);
	(v2sf) =	vpush v19, $0x2  }
0x73: {  	s21 =	sadd.s32 s21, s22;
	s22 =	simm.s32 $0x1;
	p1 =	por !p1, !p1  }
0x74: {  	p0 =	por !p6, !p0;
	s21 =	sshrl.u32 s21, $0x7;
	s22 =	simm.s32 @!p1 $0x0  }
0x75: {  	p0 =	por !p0, !p0;
	s21 =	ssub.s32 s21, s22;
	s22 =	simm.s32 $0x1  }
0x76: {  	s20 =	sshrl.u32 s20, $0x7;
	s21 =	sshll.u32 s21, $0x7;
	s22 =	simm.s32 @!p0 $0x0  }
0x77: {  	s21 =	sand.u32 $0x1FFFFF80, s21;
	s20 =	ssub.s32 s20, s22  }
0x78: {  	s21 =	sadd.s32 s0, s21;
	s20 =	sshll.u32 s20, $0x7  }
0x79: {  	[tilespmem:s14], [sflag:$0x1] =	stream.strided.gather [hbm4b:s21+s12], $0x1000, s13, s12, $0x38;
	[tilespmem:$0x10780] =	vst v63  }
0x7a: {  	s23 =	sand.u32 $0x7F, s31;
	p6 =	slt.s32 s31, $0x1;
	s20 =	sand.u32 $0x1FFFFF80, s20  }
0x7b: {  	s29 =	rddreg [dreg:$0x6];
	s22 =	sshra.s32 s31, $0x1F;
	s20 =	sadd.s32 s1, s20  }
0x7c: {  	[tilespmem:s15], [sflag:$0x1] =	stream.strided.gather [hbm4b:s20+s12], $0x1000, s13, s12, $0x38;
	[tilespmem:$0x10780] =	vst v63  }
0x7d: {  	s30 =	rddreg [dreg:$0x7];
	p3 =	sne.s32 s23, $0x0;
	s20 =	sshrl.u32 s22, $0x19  }
0x7e: {  	p0 =	por !p6, !p3;
	s20 =	sadd.s32 s20, s31;
	s31 =	spop (v2sf);
	(v2sf) =	vpush v18, $0x3  }
0x7f: {  	s23 =	simm.s32 $0x1;
	p0 =	por !p0, !p0;
	s25 =	sand.u32 $0x7F, s24  }
0x80: {  	s26 =	sshra.s32 s24, $0x1F;
	p5 =	slt.s32 s24, $0x1;
	p4 =	sne.s32 s25, $0x0  }
0x81: {  	s22 =	sshrl.u32 s26, $0x19;
	p1 =	por !p5, !p4;
	s25 =	spop (v2sf);
	(v2sf) =	vpush v19, $0x3  }
0x82: {  	s20 =	sshrl.u32 s20, $0x7;
	s22 =	sadd.s32 s22, s24;
	p1 =	por !p1, !p1  }
0x83: {  	p6 =	slt.s32 s31, $0x1;
	s22 =	sshrl.u32 s22, $0x7;
	s23 =	simm.s32 @!p1 $0x0  }
0x84: {  	s24 =	sand.u32 $0x7F, s31;
	s28 =	ssub.s32 s22, s23;
	s22 =	simm.s32 $0x1  }
0x85: {  	p3 =	sne.s32 s24, $0x0;
	s21 =	sshll.u32 s28, $0x7;
	s22 =	simm.s32 @!p0 $0x0  }
0x86: {  	s23 =	sshra.s32 s31, $0x1F;
	s21 =	sand.u32 $0x1FFFFF80, s21;
	s20 =	ssub.s32 s20, s22  }
0x87: {  	p0 =	por !p6, !p3;
	s21 =	sadd.s32 s0, s21;
	s20 =	sshll.u32 s20, $0x7  }
0x88: {  	[tilespmem:s29], [sflag:$0x1] =	stream.strided.gather [hbm4b:s21+s12], $0x1000, s13, s12, $0x38;
	[tilespmem:$0x10780] =	vst v63  }
0x89: {  	p0 =	por !p0, !p0;
	s22 =	simm.s32 $0x1;
	s20 =	sand.u32 $0x1FFFFF80, s20  }
0x8a: {  	s22 =	simm.s32 @!p0 $0x0;
	s29 =	rddreg [dreg:$0x8];
	s20 =	sadd.s32 s1, s20  }
0x8b: {  	[tilespmem:s30], [sflag:$0x1] =	stream.strided.gather [hbm4b:s20+s12], $0x1000, s13, s12, $0x38;
	[tilespmem:$0x10780] =	vst v63  }
0x8c: {  	s20 =	sshrl.u32 s23, $0x19;
	s23 =	simm.s32 $0x1;
	s30 =	rddreg [dreg:$0x9]  }
0x8d: {  	s20 =	sadd.s32 s20, s31;
	s26 =	sand.u32 $0x7F, s25;
	s31 =	spop (v2sf);
	(v2sf) =	vpush v18, $0x4  }
0x8e: {  	s28 =	sshra.s32 s25, $0x1F;
	p5 =	slt.s32 s25, $0x1;
	p4 =	sne.s32 s26, $0x0  }
0x8f: {  	s20 =	sshrl.u32 s20, $0x7;
	s21 =	sshrl.u32 s28, $0x19;
	p1 =	por !p5, !p4  }
0x90: {  	s21 =	sadd.s32 s21, s25;
	p1 =	por !p1, !p1;
	s25 =	spop (v2sf);
	(v2sf) =	vpush v19, $0x4  }
0x91: {  	s20 =	ssub.s32 s20, s22;
	s21 =	sshrl.u32 s21, $0x7;
	s23 =	simm.s32 @!p1 $0x0  }
0x92: {  	s22 =	simm.s32 $0x1;
	s24 =	sand.u32 $0x7F, s31;
	s21 =	ssub.s32 s21, s23  }
0x93: {  	p6 =	slt.s32 s31, $0x1;
	p3 =	sne.s32 s24, $0x0;
	s21 =	sshll.u32 s21, $0x7  }
0x94: {  	s20 =	sshll.u32 s20, $0x7;
	p0 =	por !p6, !p3;
	s21 =	sand.u32 $0x1FFFFF80, s21  }
0x95: {  	s20 =	sand.u32 $0x1FFFFF80, s20;
	p0 =	por !p0, !p0;
	s21 =	sadd.s32 s0, s21  }
0x96: {  	[tilespmem:s29], [sflag:$0x1] =	stream.strided.gather [hbm4b:s21+s12], $0x1000, s13, s12, $0x38;
	[tilespmem:$0x10780] =	vst v63  }
0x97: {  	s20 =	sadd.s32 s1, s20;
	s23 =	sshra.s32 s31, $0x1F;
	s22 =	simm.s32 @!p0 $0x0  }
0x98: {  	[tilespmem:s30], [sflag:$0x1] =	stream.strided.gather [hbm4b:s20+s12], $0x1000, s13, s12, $0x38;
	[tilespmem:$0x10780] =	vst v63  }
0x99: {  	s29 =	rddreg [dreg:$0xa];
	s20 =	sshrl.u32 s23, $0x19;
	s23 =	simm.s32 $0x1  }
0x9a: {  	s30 =	rddreg [dreg:$0xb];
	s20 =	sadd.s32 s20, s31;
	s26 =	sand.u32 $0x7F, s25  }
0x9b: {  	s28 =	sshra.s32 s25, $0x1F;
	p5 =	slt.s32 s25, $0x1;
	p4 =	sne.s32 s26, $0x0  }
0x9c: {  	s31 =	spop (v2sf);
	(v2sf) =	vpush v18, $0x5;
	s21 =	sshrl.u32 s28, $0x19;
	p1 =	por !p5, !p4  }
0x9d: {  	s20 =	sshrl.u32 s20, $0x7;
	s21 =	sadd.s32 s21, s25;
	p1 =	por !p1, !p1  }
0x9e: {  	s20 =	ssub.s32 s20, s22;
	s21 =	sshrl.u32 s21, $0x7;
	s23 =	simm.s32 @!p1 $0x0  }
0x9f: {  	s22 =	simm.s32 $0x1;
	s21 =	ssub.s32 s21, s23;
	s25 =	spop (v2sf);
	(v2sf) =	vpush v19, $0x5  }
0xa0: {  	s20 =	sshll.u32 s20, $0x7;
	s24 =	sand.u32 $0x7F, s31;
	s21 =	sshll.u32 s21, $0x7  }
0xa1: {  	p6 =	slt.s32 s31, $0x1;
	p3 =	sne.s32 s24, $0x0;
	s21 =	sand.u32 $0x1FFFFF80, s21  }
0xa2: {  	s20 =	sand.u32 $0x1FFFFF80, s20;
	p0 =	por !p6, !p3;
	s21 =	sadd.s32 s0, s21  }
0xa3: {  	[tilespmem:s29], [sflag:$0x1] =	stream.strided.gather [hbm4b:s21+s12], $0x1000, s13, s12, $0x38;
	[tilespmem:$0x10780] =	vst v63  }
0xa4: {  	s20 =	sadd.s32 s1, s20;
	p0 =	por !p0, !p0;
	s23 =	sshra.s32 s31, $0x1F  }
0xa5: {  	[tilespmem:s30], [sflag:$0x1] =	stream.strided.gather [hbm4b:s20+s12], $0x1000, s13, s12, $0x38;
	[tilespmem:$0x10780] =	vst v63  }
0xa6: {  	s22 =	simm.s32 @!p0 $0x0;
	s29 =	rddreg [dreg:$0xc];
	s20 =	sshrl.u32 s23, $0x19  }
0xa7: {  	s23 =	simm.s32 $0x1;
	s20 =	sadd.s32 s20, s31;
	s26 =	sand.u32 $0x7F, s25  }
0xa8: {  	s28 =	sshra.s32 s25, $0x1F;
	p5 =	slt.s32 s25, $0x1;
	p4 =	sne.s32 s26, $0x0  }
0xa9: {  	s20 =	sshrl.u32 s20, $0x7;
	s21 =	sshrl.u32 s28, $0x19;
	p1 =	por !p5, !p4  }
0xaa: {  	s20 =	ssub.s32 s20, s22;
	s21 =	sadd.s32 s21, s25;
	p1 =	por !p1, !p1  }
0xab: {  	s31 =	spop (v2sf);
	(v2sf) =	vpush v18, $0x6;
	s21 =	sshrl.u32 s21, $0x7;
	s23 =	simm.s32 @!p1 $0x0  }
0xac: {  	s30 =	rddreg [dreg:$0xd];
	s20 =	sshll.u32 s20, $0x7;
	s21 =	ssub.s32 s21, s23  }
0xad: {  	s24 =	sand.u32 $0x7F, s31;
	p6 =	slt.s32 s31, $0x1;
	s21 =	sshll.u32 s21, $0x7  }
0xae: {  	p3 =	sne.s32 s24, $0x0;
	s21 =	sand.u32 $0x1FFFFF80, s21;
	s25 =	spop (v2sf);
	(v2sf) =	vpush v19, $0x6  }
0xaf: {  	s20 =	sand.u32 $0x1FFFFF80, s20;
	p0 =	por !p6, !p3;
	s21 =	sadd.s32 s0, s21  }
0xb0: {  	[tilespmem:s29], [sflag:$0x1] =	stream.strided.gather [hbm4b:s21+s12], $0x1000, s13, s12, $0x38;
	[tilespmem:$0x10780] =	vst v63  }
0xb1: {  	s22 =	simm.s32 $0x1;
	s20 =	sadd.s32 s1, s20;
	p0 =	por !p0, !p0  }
0xb2: {  	[tilespmem:s30], [sflag:$0x1] =	stream.strided.gather [hbm4b:s20+s12], $0x1000, s13, s12, $0x38;
	[tilespmem:$0x10780] =	vst v63  }
0xb3: {  	s23 =	sshra.s32 s31, $0x1F;
	s22 =	simm.s32 @!p0 $0x0;
	s26 =	sand.u32 $0x7F, s25  }
0xb4: {  	s28 =	sshra.s32 s25, $0x1F;
	p5 =	slt.s32 s25, $0x1;
	p4 =	sne.s32 s26, $0x0  }
0xb5: {  	s20 =	sshrl.u32 s23, $0x19;
	s21 =	sshrl.u32 s28, $0x19;
	p1 =	por !p5, !p4  }
0xb6: {  	s23 =	simm.s32 $0x1;
	s21 =	sadd.s32 s21, s25;
	p1 =	por !p1, !p1  }
0xb7: {  	s20 =	sadd.s32 s20, s31;
	s21 =	sshrl.u32 s21, $0x7;
	s23 =	simm.s32 @!p1 $0x0  }
0xb8: {  	s29 =	rddreg [dreg:$0xe];
	s20 =	sshrl.u32 s20, $0x7;
	s21 =	ssub.s32 s21, s23  }
0xb9: {  	s30 =	rddreg [dreg:$0xf];
	s20 =	ssub.s32 s20, s22;
	s21 =	sshll.u32 s21, $0x7  }
0xba: {  	s20 =	sshll.u32 s20, $0x7;
	s31 =	spop (v2sf);
	s21 =	sand.u32 $0x1FFFFF80, s21  }
0xbb: {  	(v2sf) =	vpush v18, $0x7;
	s20 =	sand.u32 $0x1FFFFF80, s20;
	s24 =	sand.u32 $0x7F, s31;
	s21 =	sadd.s32 s0, s21  }
0xbc: {  	[tilespmem:s29], [sflag:$0x1] =	stream.strided.gather [hbm4b:s21+s12], $0x1000, s13, s12, $0x38;
	[tilespmem:$0x10780] =	vst v63  }
0xbd: {  	p6 =	slt.s32 s31, $0x1;
	p3 =	sne.s32 s24, $0x0;
	s25 =	spop (v2sf);
	(v2sf) =	vpush v19, $0x7  }
0xbe: {  	s22 =	simm.s32 $0x1;
	s20 =	sadd.s32 s1, s20;
	p0 =	por !p6, !p3  }
0xbf: {  	[tilespmem:s30], [sflag:$0x1] =	stream.strided.gather [hbm4b:s20+s12], $0x1000, s13, s12, $0x38;
	[tilespmem:$0x10780] =	vst v63  }
0xc0: {  	p0 =	por !p0, !p0;
	s23 =	sshra.s32 s31, $0x1F;
	s26 =	sand.u32 $0x7F, s25  }
0xc1: {  	s28 =	sshra.s32 s25, $0x1F;
	p5 =	slt.s32 s25, $0x1;
	p4 =	sne.s32 s26, $0x0  }
0xc2: {  	s20 =	sshrl.u32 s23, $0x19;
	s21 =	sshrl.u32 s28, $0x19;
	p1 =	por !p5, !p4  }
0xc3: {  	s23 =	simm.s32 $0x1;
	s21 =	sadd.s32 s21, s25;
	p1 =	por !p1, !p1  }
0xc4: {  	s20 =	sadd.s32 s20, s31;
	s21 =	sshrl.u32 s21, $0x7;
	s23 =	simm.s32 @!p1 $0x0  }
0xc5: {  	s22 =	simm.s32 @!p0 $0x0;
	s20 =	sshrl.u32 s20, $0x7;
	s21 =	ssub.s32 s21, s23  }
0xc6: {  	s20 =	ssub.s32 s20, s22;
	s21 =	sshll.u32 s21, $0x7  }
0xc7: {  	s29 =	rddreg [dreg:$0x10];
	s20 =	sshll.u32 s20, $0x7;
	s21 =	sand.u32 $0x1FFFFF80, s21  }
0xc8: {  	s30 =	rddreg [dreg:$0x11];
	s20 =	sand.u32 $0x1FFFFF80, s20;
	s21 =	sadd.s32 s0, s21  }
0xc9: {  	[tilespmem:s29], [sflag:$0x1] =	stream.strided.gather [hbm4b:s21+s12], $0x1000, s13, s12, $0x38;
	[tilespmem:$0x10780] =	vst v63  }
0xca: {  	s22 =	simm.s32 $0x1;
	s31 =	spop (v2sf);
	s20 =	sadd.s32 s1, s20  }
0xcb: {  	[tilespmem:s30], [sflag:$0x1] =	stream.strided.gather [hbm4b:s20+s12], $0x1000, s13, s12, $0x38;
	[tilespmem:$0x10780] =	vst v63  }
0xcc: {  	p3 =	slt.s32 s31, $0x1;
	s23 =	sand.u32 $0x7F, s31;
	s24 =	spop (v2sf)  }
0xcd: {  	s28 =	sshra.s32 s31, $0x1F;
	p4 =	sne.s32 s23, $0x0;
	s25 =	sand.u32 $0x7F, s24  }
0xce: {  	s26 =	sshra.s32 s24, $0x1F;
	p5 =	slt.s32 s24, $0x1;
	p6 =	sne.s32 s25, $0x0  }
0xcf: {  	p0 =	por !p3, !p4;
	s23 =	sshrl.u32 s26, $0x19;
	p1 =	por !p5, !p6  }
0xd0: {  	s20 =	sadd.s32 s23, s24;
	s23 =	simm.s32 $0x1;
	p1 =	por !p1, !p1  }
0xd1: {  	s21 =	sshrl.u32 s28, $0x19;
	s20 =	sshrl.u32 s20, $0x7;
	s23 =	simm.s32 @!p1 $0x0  }
0xd2: {  	p0 =	por !p0, !p0;
	s21 =	sadd.s32 s21, s31;
	s20 =	ssub.s32 s20, s23  }
0xd3: {  	s22 =	simm.s32 @!p0 $0x0;
	s21 =	sshrl.u32 s21, $0x7;
	s20 =	sshll.u32 s20, $0x7  }
0xd4: {  	s21 =	ssub.s32 s21, s22;
	s20 =	sand.u32 $0x1FFFFF80, s20  }
0xd5: {  	s29 =	rddreg [dreg:$0x12];
	s30 =	sshll.u32 s21, $0x7;
	s20 =	sadd.s32 s0, s20  }
0xd6: {  	[tilespmem:s29], [sflag:$0x1] =	stream.strided.gather [hbm4b:s20+s12], $0x1000, s13, s12, $0x38;
	[tilespmem:$0x10780] =	vst v63  }
0xd7: {  	s20 =	sand.u32 $0x1FFFFF80, s30  }
0xd8: {  	s31 =	rddreg [dreg:$0x13];
	s20 =	sadd.s32 s1, s20  }
0xd9: {  	[tilespmem:s31], [sflag:$0x1] =	stream.strided.gather [hbm4b:s20+s12], $0x1000, s13, s12, $0x38;
	[tilespmem:$0x10780] =	vst v63  }
0xda: {  	_ =	swait.ge [sflag:s11], $0x1000  }
0xdb: {  	[sflag:s11] =	ssyncset.done $0x0  }
0xdc: {  	[sflag:s11] =	ssyncadd.s32 $0xFFFFF000  }
0xdd: {  	_ =	swait.ge [sflag:s11], $0x1000  }
0xde: {  	[sflag:s11] =	ssyncset.done $0x0  }
0xdf: {  	[sflag:s11] =	ssyncadd.s32 $0xFFFFF000  }
0xe0: {  	_ =	swait.ge [sflag:s11], $0x1000  }
0xe1: {  	[sflag:s11] =	ssyncset.done $0x0  }
0xe2: {  	[sflag:s11] =	ssyncadd.s32 $0xFFFFF000  }
0xe3: {  	_ =	swait.ge [sflag:s11], $0x1000  }
0xe4: {  	[sflag:s11] =	ssyncset.done $0x0  }
0xe5: {  	[sflag:s11] =	ssyncadd.s32 $0xFFFFF000  }
0xe6: {  	_ =	swait.ge [sflag:s11], $0x1000  }
0xe7: {  	[sflag:s11] =	ssyncset.done $0x0  }
0xe8: {  	[sflag:s11] =	ssyncadd.s32 $0xFFFFF000  }
0xe9: {  	_ =	swait.ge [sflag:s11], $0x1000  }
0xea: {  	[sflag:s11] =	ssyncset.done $0x0  }
0xeb: {  	[sflag:s11] =	ssyncadd.s32 $0xFFFFF000  }
0xec: {  	_ =	swait.ge [sflag:s11], $0x1000  }
0xed: {  	[sflag:s11] =	ssyncset.done $0x0  }
0xee: {  	[sflag:s11] =	ssyncadd.s32 $0xFFFFF000  }
0xef: {  	_ =	swait.ge [sflag:s11], $0x1000  }
0xf0: {  	[sflag:s11] =	ssyncset.done $0x0  }
0xf1: {  	[sflag:s11] =	ssyncadd.s32 $0xFFFFF000  }
0xf2: {  	_ =	swait.ge [sflag:s11], $0x1000  }
0xf3: {  	[sflag:s11] =	ssyncset.done $0x0  }
0xf4: {  	[sflag:s11] =	ssyncadd.s32 $0xFFFFF000  }
0xf5: {  	_ =	swait.ge [sflag:s11], $0x1000  }
0xf6: {  	[sflag:s11] =	ssyncset.done $0x0  }
0xf7: {  	[sflag:s11] =	ssyncadd.s32 $0xFFFFF000  }
0xf8: {  	_ =	swait.ge [sflag:s11], $0x1000  }
0xf9: {  	[sflag:s11] =	ssyncset.done $0x0  }
0xfa: {  	[sflag:s11] =	ssyncadd.s32 $0xFFFFF000  }
0xfb: {  	_ =	swait.ge [sflag:s11], $0x1000  }
0xfc: {  	[sflag:s11] =	ssyncset.done $0x0  }
0xfd: {  	[sflag:s11] =	ssyncadd.s32 $0xFFFFF000  }
0xfe: {  	_ =	swait.ge [sflag:s11], $0x1000  }
0xff: {  	[sflag:s11] =	ssyncset.done $0x0  }
0x100: {  	[sflag:s11] =	ssyncadd.s32 $0xFFFFF000  }
0x101: {  	_ =	swait.ge [sflag:s11], $0x1000  }
0x102: {  	v19 =	vand.u32 $0x7F, v19;
	[sflag:s11] =	ssyncset.done $0x0  }
0x103: {  	v18 =	vand.u32 $0x7F, v18;
	v19 =	vperm.xlane v19, v0;
	[sflag:s11] =	ssyncadd.s32 $0xFFFFF000  }
0x104: {  	v18 =	vperm.xlane v18, v0;
	_ =	swait.ge [sflag:s11], $0x1000  }
0x105: {  	v20 =	vadd.s32 v1, v19;
	[sflag:s11] =	ssyncset.done $0x0  }
0x106: {  	v21 =	vadd.s32 v1, v18;
	[sflag:s11] =	ssyncadd.s32 $0xFFFFF000  }
0x107: {  	v22 =	vadd.s32 v2, v19;
	_ =	swait.ge [sflag:s11], $0x1000  }
0x108: {  	v23 =	vadd.s32 v2, v18;
	[sflag:s11] =	ssyncset.done $0x0  }
0x109: {  	v24 =	vadd.s32 v3, v19;
	[sflag:s11] =	ssyncadd.s32 $0xFFFFF000  }
0x10a: {  	v25 =	vadd.s32 v3, v18;
	v20 =	vld.idx.msk [tilespmem:v20+s14+$0x0], $0xffff  }
0x10b: {  	v26 =	vadd.s32 v4, v19;
	v21 =	vld.idx.msk [tilespmem:v21+s15+$0x0], $0xffff  }
0x10c: {  	v27 =	vadd.s32 v4, v18;
	v22 =	vld.idx.msk [tilespmem:v22+s14+$0x0], $0xffff  }
0x10d: {  	v28 =	vadd.s32 v5, v19;
	v23 =	vld.idx.msk [tilespmem:v23+s15+$0x0], $0xffff  }
0x10e: {  	v29 =	vadd.s32 v5, v18;
	v24 =	vld.idx.msk [tilespmem:v24+s14+$0x0], $0xffff  }
0x10f: {  	v30 =	vadd.s32 v6, v19;
	v25 =	vld.idx.msk [tilespmem:v25+s15+$0x0], $0xffff  }
0x110: {  	v50 =	vadd.s32 v6, v18;
	v49 =	vld.idx.msk [tilespmem:v26+s14+$0x0], $0xffff;
	v20 =	vmul.f32 v21, v20  }
0x111: {  	v31 =	vadd.s32 v7, v19;
	v27 =	vld.idx.msk [tilespmem:v27+s15+$0x0], $0xffff  }
0x112: {  	v52 =	vadd.s32 v7, v18;
	v51 =	vld.idx.msk [tilespmem:v28+s14+$0x0], $0xffff;
	v22 =	vmul.f32 v23, v22;
	v20 =	vadd.f32 $0.0e+00, v20  }
0x113: {  	v32 =	vadd.s32 v8, v19;
	v29 =	vld.idx.msk [tilespmem:v29+s15+$0x0], $0xffff  }
0x114: {  	v55 =	vadd.s32 v8, v18;
	v54 =	vld.idx.msk [tilespmem:v30+s14+$0x0], $0xffff;
	v53 =	vmul.f32 v25, v24;
	v20 =	vadd.f32 v22, v20  }
0x115: {  	v56 =	vadd.s32 v9, v19;
	v26 =	vld.idx.msk [tilespmem:v50+s15+$0x0], $0xffff  }
0x116: {  	v58 =	vadd.s32 v9, v18;
	v57 =	vld.idx.msk [tilespmem:v31+s14+$0x0], $0xffff;
	v21 =	vmul.f32 v27, v49;
	v20 =	vadd.f32 v53, v20  }
0x117: {  	v59 =	vadd.s32 v10, v19;
	v28 =	vld.idx.msk [tilespmem:v52+s15+$0x0], $0xffff  }
0x118: {  	v62 =	vadd.s32 v10, v18;
	v61 =	vld.idx.msk [tilespmem:v32+s14+$0x0], $0xffff;
	v60 =	vmul.f32 v29, v51;
	v20 =	vadd.f32 v21, v20  }
0x119: {  	v63 =	vadd.s32 v11, v19;
	v25 =	vld.idx.msk [tilespmem:v55+s15+$0x0], $0xffff  }
0x11a: {  	v38 =	vadd.s32 v11, v18;
	v37 =	vld.idx.msk [tilespmem:v56+s14+$0x0], $0xffff;
	v36 =	vmul.f32 v26, v54;
	v20 =	vadd.f32 v60, v20  }
0x11b: {  	v39 =	vadd.s32 v12, v19;
	v27 =	vld.idx.msk [tilespmem:v58+s15+$0x0], $0xffff  }
0x11c: {  	v42 =	vadd.s32 v12, v18;
	v41 =	vld.idx.msk [tilespmem:v59+s14+$0x0], $0xffff;
	v40 =	vmul.f32 v28, v57;
	v20 =	vadd.f32 v36, v20  }
0x11d: {  	v46 =	vadd.s32 v13, v18;
	v29 =	vld.idx.msk [tilespmem:v62+s15+$0x0], $0xffff  }
0x11e: {  	v43 =	vadd.s32 v13, v19;
	v45 =	vld.idx.msk [tilespmem:v63+s14+$0x0], $0xffff;
	v44 =	vmul.f32 v25, v61;
	v20 =	vadd.f32 v40, v20  }
0x11f: {  	v47 =	vadd.s32 v14, v19;
	v26 =	vld.idx.msk [tilespmem:v38+s15+$0x0], $0xffff  }
0x120: {  	v50 =	vadd.s32 v14, v18;
	v49 =	vld.idx.msk [tilespmem:v39+s14+$0x0], $0xffff;
	v48 =	vmul.f32 v27, v37;
	v20 =	vadd.f32 v44, v20  }
0x121: {  	v28 =	vld.idx.msk [tilespmem:v42+s15+$0x0], $0xffff;
	v51 =	vadd.s32 v15, v19  }
0x122: {  	v54 =	vadd.s32 v15, v18;
	v52 =	vmul.f32 v29, v41;
	v25 =	vld.idx.msk [tilespmem:v46+s15+$0x0], $0xffff;
	v20 =	vadd.f32 v48, v20  }
0x123: {  	v19 =	vadd.s32 v16, v19;
	v53 =	vld.idx.msk [tilespmem:v43+s14+$0x0], $0xffff  }
0x124: {  	v56 =	vld.idx.msk [tilespmem:v47+s14+$0x0], $0xffff;
	v18 =	vadd.s32 v16, v18;
	v55 =	vmul.f32 v26, v45;
	v20 =	vadd.f32 v52, v20  }
0x125: {  	v57 =	vld.idx.msk [tilespmem:v50+s15+$0x0], $0xffff  }
0x126: {  	v58 =	vmul.f32 v28, v49;
	v59 =	vld.idx.msk [tilespmem:v51+s14+$0x0], $0xffff;
	v20 =	vadd.f32 v55, v20  }
0x127: {  	v60 =	vld.idx.msk [tilespmem:v54+s15+$0x0], $0xffff  }
0x128: {  	v19 =	vld.idx.msk [tilespmem:v19+s14+$0x0], $0xffff;
	v61 =	vmul.f32 v25, v53;
	v20 =	vadd.f32 v58, v20  }
0x129: {  	v18 =	vld.idx.msk [tilespmem:v18+s15+$0x0], $0xffff  }
0x12a: {  	v62 =	vmul.f32 v57, v56;
	v20 =	vadd.f32 v61, v20;
	_ =	sdelay $0x1  }
0x12b: {  	v63 =	vmul.f32 v60, v59;
	v20 =	vadd.f32 v62, v20;
	_ =	sdelay $0x1  }
0x12c: {  	v18 =	vmul.f32 v18, v19;
	v20 =	vadd.f32 v63, v20;
	_ =	sdelay $0x1  }
0x12d: {  	v18 =	vadd.f32 v18, v20  }
0x12e: {  	p0 =	sne.s32 s18, $0x7E0  }
.Ltmp0:
0x12f: {  	v19 =	vperm.xlane v18, v17;
	(pc) =	sbr.rel @p0 .LBB2_2-.Ltmp0, $3  }
0x130: {  	_ = 	snop  }
0x131: {  	v18 =	vadd.f32 v18, v19;
	_ =	sdelay $0x1  }
0x132: {  	s18 =	sadd.s32 $0x20, s18;
	[tilespmem:s19+$0x10500] =	vst v18  }
0x133: {  	s17 =	sadd.s32 $0x1, s17  }
0x134: {  	p0 =	sne.s32 s17, s8  }
.Ltmp1:
0x135: {  	_ = 	snop;
	(pc) =	sbr.rel @p0 .LBB2_1-.Ltmp1, $4  }
0x136: {  	[hbm4b:s7+s3] =	stream.linear.scatter [tilespmem:s16], [sflag:$0x2], $0x200, $0x38;
	[tilespmem:$0x10780] =	vst v63  }
0x137: {  	_ =	swait.ge [sflag:s9], $0x200  }
0x138: {  	[sflag:s9] =	ssyncset.done $0x0  }
0x139: {  	[sflag:s9] =	ssyncadd.s32 $0xFFFFFE00  }
0x13a: {  	_ =	sfence.sel $0x180000  }
0x13b: {  	[bflag:$0x0] =	sbarrier.arrive $0xFFFF  }
0x13c: {  	p0 =	sne.s32 s4, $0x0;
	_ =	strace $0x90000047  }
0x13d: {  	s0 =	sadd.s32 @!p0 $0x100000, s2;
	[bflag:$0x2] =	sbarrier.arrive $0xFFFF  }
0x13e: {  	[sflag:s0] =	ssyncadd.tile.s32 @!p0 $0x1;
	_ =	shalt  }
.Lfunc_end2:
_tile_overlayer_lowered:
.L_overlay_start_2:
0x13f: {  	(tag) =	ssettag $0x2  }
0x140: {  	s0 =	rddreg [dreg:$0x0];
	s2 =	stileid.u32  }
0x141: {  	s1 =	rddreg [dreg:$0x1];
	p0 =	sne.s32 s2, $0x0  }
0x142: {  	s3 =	rddreg [dreg:$0x2];
	[bflag:$0x3] =	sbarrier.arrive $0xFFFF;
	s2 =	simm.s32 @!p0 $0x1C02  }
0x143: {  	[timem:s3], [sflag:s2] =	dma.local @!p0 [hbm:s0], s1  }
0x144: {  	s0 =	simm.s32 @!p0 $0x2  }
0x145: {  	_ =	swait.ge @!p0 [sflag:s0], s1  }
0x146: {  	s1 =	ssub.s32 @!p0 $0x0, s1;
	[sflag:s0] =	ssyncset.done @!p0 $0x0  }
0x147: {  	[sflag:s0] =	ssyncadd.s32 @!p0 s1  }
0x148: {  	[bflag:$0x3] =	sbarrier.arrive $0xFFFF  }
0x149: {  	_ =	shalt  }

</sc_bundles>
